<compile_context>
chip_gen: v7x
topology: tpu7x:2x2x1
jax: 0.10.2.dev20260603
libtpu: 0.0.44.dev20260713+nightly
codegen_flags: <defaults>
</compile_context>

<pallas_src>
import functools

import jax
import jax.numpy as jnp
from jax import lax
from jax.experimental import pallas as pl
from jax.experimental.pallas import tpu as pltpu
from jax.experimental.pallas import tpu_sc as plsc

N = 10000
E = 160000
D = 256
H = 1024
DH = D // 2
NC = 2
NS = 16
CH = 128
CHUNKS = -(-E // (NS * CH))
EPS = CHUNKS * CH
EPAD = EPS * NS
ACC_ROWS = N + 112
STRIPE = ACC_ROWS // NS


def _sc_aggregate(x, src, dst, zeros):
    mesh = plsc.VectorSubcoreMesh(core_axis_name="c", subcore_axis_name="s")

    @functools.partial(
        pl.kernel,
        mesh=mesh,
        out_type=jax.ShapeDtypeStruct((NC, ACC_ROWS, DH), jnp.float32),
        scratch_types=[
            pltpu.VMEM((CH,), jnp.int32),
            pltpu.VMEM((CH,), jnp.int32),
            pltpu.VMEM((CH, DH), jnp.float32),
            pltpu.VMEM_SHARED((ACC_ROWS, DH), jnp.float32),
            pltpu.SemaphoreType.DMA,
        ],
    )
    def agg_kernel(x_hbm, src_hbm, dst_hbm, zeros_hbm, out_hbm,
                   src_v, dst_v, rows_v, acc, sem):
        cid = lax.axis_index("c")
        sid = lax.axis_index("s")
        r0 = sid * STRIPE
        c0 = cid * DH

        def gather():
            return pltpu.make_async_copy(x_hbm.at[src_v, pl.ds(c0, DH)],
                                         rows_v, sem)

        pltpu.sync_copy(src_hbm.at[pl.ds(sid * EPS, CH)], src_v)
        pltpu.sync_copy(dst_hbm.at[pl.ds(sid * EPS, CH)], dst_v)
        gather().start()
        pltpu.sync_copy(zeros_hbm, acc.at[pl.ds(r0, STRIPE)])
        plsc.subcore_barrier()

        @pl.loop(0, CHUNKS)
        def _(k):
            gather().wait()
            pltpu.sync_copy(rows_v, acc.at[dst_v], add=True)

            @pl.when(k < CHUNKS - 1)
            def _():
                base = sid * EPS + (k + 1) * CH
                pltpu.sync_copy(src_hbm.at[pl.ds(base, CH)], src_v)
                pltpu.sync_copy(dst_hbm.at[pl.ds(base, CH)], dst_v)
                gather().start()

        plsc.subcore_barrier()
        pltpu.sync_copy(acc.at[pl.ds(r0, STRIPE)],
                        out_hbm.at[cid, pl.ds(r0, STRIPE)])

    return agg_kernel(x, src, dst, zeros)


def _mlp_ln(agg, x, W1l, W1h, b1, W2, b2, gamma, beta):
    BR = 1000

    def body(agg_ref, x_ref, w1l_ref, w1h_ref, b1_ref, w2_ref, b2_ref,
             g_ref, bt_ref, o_ref):
        a0 = agg_ref[0].astype(jnp.bfloat16)
        a1 = agg_ref[1].astype(jnp.bfloat16)
        h = jnp.dot(a0, w1l_ref[...], preferred_element_type=jnp.float32)
        h = h + jnp.dot(a1, w1h_ref[...], preferred_element_type=jnp.float32)
        h = jnp.maximum(h + b1_ref[...], 0.0).astype(jnp.bfloat16)
        y = jnp.dot(h, w2_ref[...], preferred_element_type=jnp.float32)
        y = y + b2_ref[...] + x_ref[...]
        mean = jnp.mean(y, axis=-1, keepdims=True)
        c = y - mean
        var = jnp.mean(c * c, axis=-1, keepdims=True)
        o_ref[...] = c * lax.rsqrt(var + 1e-5) * g_ref[...] + bt_ref[...]

    return pl.pallas_call(
        body,
        grid=(N // BR,),
        in_specs=[
            pl.BlockSpec((NC, BR, DH), lambda i: (0, i, 0)),
            pl.BlockSpec((BR, D), lambda i: (i, 0)),
            pl.BlockSpec((DH, H), lambda i: (0, 0)),
            pl.BlockSpec((DH, H), lambda i: (0, 0)),
            pl.BlockSpec((1, H), lambda i: (0, 0)),
            pl.BlockSpec((H, D), lambda i: (0, 0)),
            pl.BlockSpec((1, D), lambda i: (0, 0)),
            pl.BlockSpec((1, D), lambda i: (0, 0)),
            pl.BlockSpec((1, D), lambda i: (0, 0)),
        ],
        out_specs=pl.BlockSpec((BR, D), lambda i: (i, 0)),
        out_shape=jax.ShapeDtypeStruct((N, D), jnp.float32),
        compiler_params=pltpu.CompilerParams(
            dimension_semantics=("parallel",)),
    )(agg, x, W1l, W1h, b1, W2, b2, gamma, beta)


@jax.jit
def kernel(x, edge_index, W1, b1, W2, b2, gamma, beta):
    src = edge_index[0].astype(jnp.int32)
    dst = edge_index[1].astype(jnp.int32)
    src = jnp.pad(src, (0, EPAD - E))
    dst = jnp.pad(dst, (0, EPAD - E), constant_values=N)
    zeros = jnp.zeros((STRIPE, DH), jnp.float32)
    agg = _sc_aggregate(x, src, dst, zeros)
    W1b = W1.astype(jnp.bfloat16)
    return _mlp_ln(agg, x, W1b[:DH], W1b[DH:], b1.reshape(1, H),
                   W2.astype(jnp.bfloat16), b2.reshape(1, D),
                   gamma.reshape(1, D), beta.reshape(1, D))

# --- scband reference (transcript-rebuilt; emitter-appended) ---
"""Pipeline reference for scband-graph-isomorphism-62483184222836 (READ-ONLY COPY).

The authoritative reference and input builder live on the scoring server;
editing this copy changes nothing except your own understanding.
"""

import jax, jax.numpy as jnp
import numpy as np

N = 10000
E = 160000
D = 256
H = 4 * D


def setup_inputs(seed: int = 0) -> dict:
    key = jax.random.key(seed)
    ks = jax.random.split(key, 8)
    x = jax.random.normal(ks[0], (N, D), dtype=jnp.float32)
    edge_index = jax.random.randint(ks[1], (2, E), 0, N, dtype=jnp.int64)
    # MLP params (torch Linear: y = x @ W.T + b; here stored pre-transposed)
    W1 = jax.random.normal(ks[2], (D, H), dtype=jnp.float32) * (1.0 / np.sqrt(D))
    b1 = jax.random.normal(ks[3], (H,), dtype=jnp.float32) * 0.01
    W2 = jax.random.normal(ks[4], (H, D), dtype=jnp.float32) * (1.0 / np.sqrt(H))
    b2 = jax.random.normal(ks[5], (D,), dtype=jnp.float32) * 0.01
    gamma = jnp.ones((D,), dtype=jnp.float32)
    beta = jnp.zeros((D,), dtype=jnp.float32)
    return {"x": x, "edge_index": edge_index, "W1": W1, "b1": b1,
            "W2": W2, "b2": b2, "gamma": gamma, "beta": beta}


def reference(x, edge_index, W1, b1, W2, b2, gamma, beta):
    # graph.update_all(copy_u('h','m'), sum('m','u_')): sum incoming neighbor feats
    src = edge_index[0]
    dst = edge_index[1]
    msgs = jnp.take(x, src, axis=0)                      # gather (SparseCore)
    agg = jax.ops.segment_sum(msgs, dst, num_segments=N)  # scatter-add
    # MLP: linear1 -> relu -> linear2
    h = jnp.maximum(agg @ W1 + b1, 0.0)
    h = h @ W2 + b2
    # residual
    h = h + x
    # LayerNorm (eps=1e-5, biased variance as in torch)
    mean = jnp.mean(h, axis=-1, keepdims=True)
    var = jnp.mean((h - mean) ** 2, axis=-1, keepdims=True)
    h = (h - mean) / jnp.sqrt(var + 1e-5)
    h = h * gamma + beta
    # dropout with training=False is identity
    return h

if __name__ == "__main__":
    import jax
    _d = setup_inputs()
    print(jax.jit(kernel)(*tuple(_d.values())))

</pallas_src>

<mosaic_0001>
#map = affine_map<(d0, d1) -> (0, 0)>
#map1 = affine_map<(d0, d1) -> (0)>
#map2 = affine_map<(d0, d1) -> (0, 0, 0)>
module attributes {stable_mosaic.version = 14 : i64} {
  func.func @agg_kernel(%arg0: i32, %arg1: i32, %arg2: memref<10000x256xf32, #tpu.memory_space<hbm>>, %arg3: memref<161792xi32, #tpu.memory_space<hbm>>, %arg4: memref<161792xi32, #tpu.memory_space<hbm>>, %arg5: memref<632x128xf32, #tpu.memory_space<hbm>>, %arg6: memref<2x10112x128xf32, #tpu.memory_space<hbm>>, %arg7: memref<128xi32, #tpu.memory_space<vmem>>, %arg8: memref<128xi32, #tpu.memory_space<vmem>>, %arg9: memref<128x128xf32, #tpu.memory_space<vmem>>, %arg10: memref<10112x128xf32, #tpu.memory_space<vmem_shared>>, %arg11: memref<!tpu.dma_semaphore, #tpu.memory_space<semaphore_mem>>) attributes {dimension_semantics = [#tpu.dimension_semantics<core_parallel>, #tpu.dimension_semantics<subcore_parallel>], iteration_bounds = array<i64: 2, 16>, scalar_prefetch = 0 : i64, scratch_operands = 5 : i64, tpu.core_type = #tpu.core_type<sc_vector_subcore>, window_params = [{transform_indices = #map}, {transform_indices = #map1}, {transform_indices = #map1}, {transform_indices = #map}, {transform_indices = #map2}]} {
    %mul3A = arith.constant 632 : i32
    %mul3A_0 = arith.muli %arg1, %mul3A : i32
    %mul3A_1 = arith.constant 128 : i32
    %mul3A_2 = arith.muli %arg0, %mul3A_1 : i32
    %mul3A_3 = arith.constant 10112 : i32
    %mul3A_4 = arith.muli %arg1, %mul3A_3 : i32
    "tpu.region"() ({
      %run_scoped3A = tpu.sem_alloc : memref<!tpu.dma_semaphore, #tpu.memory_space<semaphore_mem>>
      %dma_start3A_13 = tpu.memref_slice %arg3[%mul3A_4] : memref<161792xi32, #tpu.memory_space<hbm>> -> memref<128xi32, #tpu.memory_space<hbm>>
      %dma_start3A_14 = tpu.memref_slice %arg3[%mul3A_4] : memref<161792xi32, #tpu.memory_space<hbm>> -> memref<128xi32, #tpu.memory_space<hbm>>
      tpu.enqueue_dma source(%dma_start3A_14 : memref<128xi32, #tpu.memory_space<hbm>>) target(%arg7 : memref<128xi32, #tpu.memory_space<vmem>>) target_semaphore(%run_scoped3A : memref<!tpu.dma_semaphore, #tpu.memory_space<semaphore_mem>>)
      %dma_wait3A = tpu.memref_slice %arg3[%mul3A_4] : memref<161792xi32, #tpu.memory_space<hbm>> -> memref<128xi32, #tpu.memory_space<hbm>>
      %dma_wait3A_15 = tpu.memref_slice %arg3[%mul3A_4] : memref<161792xi32, #tpu.memory_space<hbm>> -> memref<128xi32, #tpu.memory_space<hbm>>
      tpu.wait_dma2 semaphore(%run_scoped3A : memref<!tpu.dma_semaphore, #tpu.memory_space<semaphore_mem>>) src(%dma_wait3A_15 : memref<128xi32, #tpu.memory_space<hbm>>) dst(%arg7 : memref<128xi32, #tpu.memory_space<vmem>>)
      tpu.yield
    }) : () -> ()
    %mul3A_5 = arith.constant 10112 : i32
    %mul3A_6 = arith.muli %arg1, %mul3A_5 : i32
    "tpu.region"() ({
      %run_scoped3A = tpu.sem_alloc : memref<!tpu.dma_semaphore, #tpu.memory_space<semaphore_mem>>
      %dma_start3A_13 = tpu.memref_slice %arg4[%mul3A_6] : memref<161792xi32, #tpu.memory_space<hbm>> -> memref<128xi32, #tpu.memory_space<hbm>>
      %dma_start3A_14 = tpu.memref_slice %arg4[%mul3A_6] : memref<161792xi32, #tpu.memory_space<hbm>> -> memref<128xi32, #tpu.memory_space<hbm>>
      tpu.enqueue_dma source(%dma_start3A_14 : memref<128xi32, #tpu.memory_space<hbm>>) target(%arg8 : memref<128xi32, #tpu.memory_space<vmem>>) target_semaphore(%run_scoped3A : memref<!tpu.dma_semaphore, #tpu.memory_space<semaphore_mem>>)
      %dma_wait3A = tpu.memref_slice %arg4[%mul3A_6] : memref<161792xi32, #tpu.memory_space<hbm>> -> memref<128xi32, #tpu.memory_space<hbm>>
      %dma_wait3A_15 = tpu.memref_slice %arg4[%mul3A_6] : memref<161792xi32, #tpu.memory_space<hbm>> -> memref<128xi32, #tpu.memory_space<hbm>>
      tpu.wait_dma2 semaphore(%run_scoped3A : memref<!tpu.dma_semaphore, #tpu.memory_space<semaphore_mem>>) src(%dma_wait3A_15 : memref<128xi32, #tpu.memory_space<hbm>>) dst(%arg8 : memref<128xi32, #tpu.memory_space<vmem>>)
      tpu.yield
    }) : () -> ()
    %dma_start3A = arith.constant 0 : i32
    %dma_start3A_7 = tpu.memref_slice %arg2[%dma_start3A, %mul3A_2] : memref<10000x256xf32, #tpu.memory_space<hbm>> -> memref<10000x128xf32, #tpu.memory_space<hbm>>
    tpu.enqueue_indirect_dma source(%dma_start3A_7 : memref<10000x128xf32, #tpu.memory_space<hbm>>) target(%arg9 : memref<128x128xf32, #tpu.memory_space<vmem>>) offsets(%arg7 : memref<128xi32, #tpu.memory_space<vmem>>) semaphore(%arg11 : memref<!tpu.dma_semaphore, #tpu.memory_space<semaphore_mem>>)
    "tpu.region"() ({
      %run_scoped3A = tpu.sem_alloc : memref<!tpu.dma_semaphore, #tpu.memory_space<semaphore_mem>>
      %dma_start3A_13 = arith.constant 0 : i32
      %dma_start3A_14 = tpu.memref_slice %arg10[%mul3A_0, %dma_start3A_13] : memref<10112x128xf32, #tpu.memory_space<vmem_shared>> -> memref<632x128xf32, #tpu.memory_space<vmem_shared>>
      tpu.enqueue_dma source(%arg5 : memref<632x128xf32, #tpu.memory_space<hbm>>) target(%dma_start3A_14 : memref<632x128xf32, #tpu.memory_space<vmem_shared>>) target_semaphore(%run_scoped3A : memref<!tpu.dma_semaphore, #tpu.memory_space<semaphore_mem>>)
      %dma_wait3A = arith.constant 0 : i32
      %dma_wait3A_15 = tpu.memref_slice %arg10[%mul3A_0, %dma_wait3A] : memref<10112x128xf32, #tpu.memory_space<vmem_shared>> -> memref<632x128xf32, #tpu.memory_space<vmem_shared>>
      tpu.wait_dma2 semaphore(%run_scoped3A : memref<!tpu.dma_semaphore, #tpu.memory_space<semaphore_mem>>) src(%arg5 : memref<632x128xf32, #tpu.memory_space<hbm>>) dst(%dma_wait3A_15 : memref<632x128xf32, #tpu.memory_space<vmem_shared>>)
      tpu.yield
    }) : () -> ()
    %barrier3A = arith.constant 0 : index
    tpu.barrier barrier_id(%barrier3A)
    %scan3A = arith.constant 0 : i32
    %scan3A_8 = arith.constant 79 : i32
    %scan3A_9 = arith.addi %scan3A, %scan3A_8 : i32
    %scan3A_10 = arith.constant 1 : i32
    scf.for %scan3A_13 = %scan3A to %scan3A_9 step %scan3A_10  : i32 {
      %mul3A_14 = arith.constant 1 : i32
      %mul3A_15 = arith.muli %scan3A_13, %mul3A_14 : i32
      %add3A = arith.constant 0 : i32
      %add3A_16 = arith.addi %add3A, %mul3A_15 : i32
      %dma_wait3A = arith.constant 0 : i32
      %dma_wait3A_17 = tpu.memref_slice %arg2[%dma_wait3A, %mul3A_2] : memref<10000x256xf32, #tpu.memory_space<hbm>> -> memref<10000x128xf32, #tpu.memory_space<hbm>>
      tpu.wait_indirect_dma semaphore(%arg11 : memref<!tpu.dma_semaphore, #tpu.memory_space<semaphore_mem>>) src(%dma_wait3A_17 : memref<10000x128xf32, #tpu.memory_space<hbm>>) dst(%arg9 : memref<128x128xf32, #tpu.memory_space<vmem>>)
      "tpu.region"() ({
        %run_scoped3A = tpu.sem_alloc : memref<!tpu.dma_semaphore, #tpu.memory_space<semaphore_mem>>
        %dma_start3A_20 = arith.constant 0 : i32
        %dma_start3A_21 = arith.constant 0 : i32
        %dma_start3A_22 = tpu.memref_slice %arg10[%dma_start3A_20, %dma_start3A_21] : memref<10112x128xf32, #tpu.memory_space<vmem_shared>> -> memref<10112x128xf32, #tpu.memory_space<vmem_shared>>
        tpu.enqueue_indirect_dma source(%arg9 : memref<128x128xf32, #tpu.memory_space<vmem>>) target(%dma_start3A_22 : memref<10112x128xf32, #tpu.memory_space<vmem_shared>>) offsets(%arg8 : memref<128xi32, #tpu.memory_space<vmem>>) semaphore(%run_scoped3A : memref<!tpu.dma_semaphore, #tpu.memory_space<semaphore_mem>>) {add = true}
        %dma_wait3A_23 = arith.constant 0 : i32
        %dma_wait3A_24 = arith.constant 0 : i32
        %dma_wait3A_25 = tpu.memref_slice %arg10[%dma_wait3A_23, %dma_wait3A_24] : memref<10112x128xf32, #tpu.memory_space<vmem_shared>> -> memref<10112x128xf32, #tpu.memory_space<vmem_shared>>
        tpu.wait_indirect_dma semaphore(%run_scoped3A : memref<!tpu.dma_semaphore, #tpu.memory_space<semaphore_mem>>) src(%arg9 : memref<128x128xf32, #tpu.memory_space<vmem>>) dst(%dma_wait3A_25 : memref<10112x128xf32, #tpu.memory_space<vmem_shared>>)
        tpu.yield
      }) : () -> ()
      %lt3A = arith.constant 78 : i32
      %lt3A_18 = arith.cmpi slt, %add3A_16, %lt3A : i32
      %convert_element_type3A = arith.extui %lt3A_18 : i1 to i32
      %cond3A = arith.constant 0 : i32
      %cond3A_19 = arith.cmpi ne, %convert_element_type3A, %cond3A : i32
      scf.if %cond3A_19 {
        %mul3A_20 = arith.constant 10112 : i32
        %mul3A_21 = arith.muli %arg1, %mul3A_20 : i32
        %add3A_22 = arith.constant 1 : i32
        %add3A_23 = arith.addi %add3A_16, %add3A_22 : i32
        %mul3A_24 = arith.constant 128 : i32
        %mul3A_25 = arith.muli %add3A_23, %mul3A_24 : i32
        %add3A_26 = arith.addi %mul3A_21, %mul3A_25 : i32
        "tpu.region"() ({
          %run_scoped3A = tpu.sem_alloc : memref<!tpu.dma_semaphore, #tpu.memory_space<semaphore_mem>>
          %dma_start3A_29 = tpu.memref_slice %arg3[%add3A_26] : memref<161792xi32, #tpu.memory_space<hbm>> -> memref<128xi32, #tpu.memory_space<hbm>>
          %dma_start3A_30 = tpu.memref_slice %arg3[%add3A_26] : memref<161792xi32, #tpu.memory_space<hbm>> -> memref<128xi32, #tpu.memory_space<hbm>>
          tpu.enqueue_dma source(%dma_start3A_30 : memref<128xi32, #tpu.memory_space<hbm>>) target(%arg7 : memref<128xi32, #tpu.memory_space<vmem>>) target_semaphore(%run_scoped3A : memref<!tpu.dma_semaphore, #tpu.memory_space<semaphore_mem>>)
          %dma_wait3A_31 = tpu.memref_slice %arg3[%add3A_26] : memref<161792xi32, #tpu.memory_space<hbm>> -> memref<128xi32, #tpu.memory_space<hbm>>
          %dma_wait3A_32 = tpu.memref_slice %arg3[%add3A_26] : memref<161792xi32, #tpu.memory_space<hbm>> -> memref<128xi32, #tpu.memory_space<hbm>>
          tpu.wait_dma2 semaphore(%run_scoped3A : memref<!tpu.dma_semaphore, #tpu.memory_space<semaphore_mem>>) src(%dma_wait3A_32 : memref<128xi32, #tpu.memory_space<hbm>>) dst(%arg7 : memref<128xi32, #tpu.memory_space<vmem>>)
          tpu.yield
        }) : () -> ()
        "tpu.region"() ({
          %run_scoped3A = tpu.sem_alloc : memref<!tpu.dma_semaphore, #tpu.memory_space<semaphore_mem>>
          %dma_start3A_29 = tpu.memref_slice %arg4[%add3A_26] : memref<161792xi32, #tpu.memory_space<hbm>> -> memref<128xi32, #tpu.memory_space<hbm>>
          %dma_start3A_30 = tpu.memref_slice %arg4[%add3A_26] : memref<161792xi32, #tpu.memory_space<hbm>> -> memref<128xi32, #tpu.memory_space<hbm>>
          tpu.enqueue_dma source(%dma_start3A_30 : memref<128xi32, #tpu.memory_space<hbm>>) target(%arg8 : memref<128xi32, #tpu.memory_space<vmem>>) target_semaphore(%run_scoped3A : memref<!tpu.dma_semaphore, #tpu.memory_space<semaphore_mem>>)
          %dma_wait3A_31 = tpu.memref_slice %arg4[%add3A_26] : memref<161792xi32, #tpu.memory_space<hbm>> -> memref<128xi32, #tpu.memory_space<hbm>>
          %dma_wait3A_32 = tpu.memref_slice %arg4[%add3A_26] : memref<161792xi32, #tpu.memory_space<hbm>> -> memref<128xi32, #tpu.memory_space<hbm>>
          tpu.wait_dma2 semaphore(%run_scoped3A : memref<!tpu.dma_semaphore, #tpu.memory_space<semaphore_mem>>) src(%dma_wait3A_32 : memref<128xi32, #tpu.memory_space<hbm>>) dst(%arg8 : memref<128xi32, #tpu.memory_space<vmem>>)
          tpu.yield
        }) : () -> ()
        %dma_start3A_27 = arith.constant 0 : i32
        %dma_start3A_28 = tpu.memref_slice %arg2[%dma_start3A_27, %mul3A_2] : memref<10000x256xf32, #tpu.memory_space<hbm>> -> memref<10000x128xf32, #tpu.memory_space<hbm>>
        tpu.enqueue_indirect_dma source(%dma_start3A_28 : memref<10000x128xf32, #tpu.memory_space<hbm>>) target(%arg9 : memref<128x128xf32, #tpu.memory_space<vmem>>) offsets(%arg7 : memref<128xi32, #tpu.memory_space<vmem>>) semaphore(%arg11 : memref<!tpu.dma_semaphore, #tpu.memory_space<semaphore_mem>>)
      } else {
      }
    }
    %scan3A_11 = arith.constant 79 : i32
    %barrier3A_12 = arith.constant 0 : index
    tpu.barrier barrier_id(%barrier3A_12)
    "tpu.region"() ({
      %run_scoped3A = tpu.sem_alloc : memref<!tpu.dma_semaphore, #tpu.memory_space<semaphore_mem>>
      %dma_start3A_13 = arith.constant 0 : i32
      %dma_start3A_14 = tpu.memref_slice %arg6[%arg0, %mul3A_0, %dma_start3A_13] : memref<2x10112x128xf32, #tpu.memory_space<hbm>> -> memref<1x632x128xf32, #tpu.memory_space<hbm>>
      %dma_start3A_15 = tpu.memref_squeeze %dma_start3A_14 : memref<1x632x128xf32, #tpu.memory_space<hbm>> -> memref<632x128xf32, #tpu.memory_space<hbm>>
      %dma_start3A_16 = arith.constant 0 : i32
      %dma_start3A_17 = tpu.memref_slice %arg10[%mul3A_0, %dma_start3A_16] : memref<10112x128xf32, #tpu.memory_space<vmem_shared>> -> memref<632x128xf32, #tpu.memory_space<vmem_shared>>
      tpu.enqueue_dma source(%dma_start3A_17 : memref<632x128xf32, #tpu.memory_space<vmem_shared>>) target(%dma_start3A_15 : memref<632x128xf32, #tpu.memory_space<hbm>>) target_semaphore(%run_scoped3A : memref<!tpu.dma_semaphore, #tpu.memory_space<semaphore_mem>>)
      %dma_wait3A = arith.constant 0 : i32
      %dma_wait3A_18 = tpu.memref_slice %arg6[%arg0, %mul3A_0, %dma_wait3A] : memref<2x10112x128xf32, #tpu.memory_space<hbm>> -> memref<1x632x128xf32, #tpu.memory_space<hbm>>
      %dma_wait3A_19 = tpu.memref_squeeze %dma_wait3A_18 : memref<1x632x128xf32, #tpu.memory_space<hbm>> -> memref<632x128xf32, #tpu.memory_space<hbm>>
      %dma_wait3A_20 = arith.constant 0 : i32
      %dma_wait3A_21 = tpu.memref_slice %arg10[%mul3A_0, %dma_wait3A_20] : memref<10112x128xf32, #tpu.memory_space<vmem_shared>> -> memref<632x128xf32, #tpu.memory_space<vmem_shared>>
      tpu.wait_dma2 semaphore(%run_scoped3A : memref<!tpu.dma_semaphore, #tpu.memory_space<semaphore_mem>>) src(%dma_wait3A_21 : memref<632x128xf32, #tpu.memory_space<vmem_shared>>) dst(%dma_wait3A_19 : memref<632x128xf32, #tpu.memory_space<hbm>>)
      tpu.yield
    }) : () -> ()
    return
  }
}

module attributes {stable_mosaic.version = 14 : i64} {
  func.func @body(%arg0: i32, %arg1: memref<2x1000x128xf32, #tpu.memory_space<vmem>>, %arg2: memref<1000x256xf32, #tpu.memory_space<vmem>>, %arg3: memref<128x1024xbf16, #tpu.memory_space<vmem>>, %arg4: memref<128x1024xbf16, #tpu.memory_space<vmem>>, %arg5: memref<1x1024xf32, #tpu.memory_space<vmem>>, %arg6: memref<1024x256xbf16, #tpu.memory_space<vmem>>, %arg7: memref<1x256xf32, #tpu.memory_space<vmem>>, %arg8: memref<1x256xf32, #tpu.memory_space<vmem>>, %arg9: memref<1x256xf32, #tpu.memory_space<vmem>>, %arg10: memref<1000x256xf32, #tpu.memory_space<vmem>>) attributes {dimension_semantics = [#tpu.dimension_semantics<parallel>], iteration_bounds = array<i64: 10>, scalar_prefetch = 0 : i64, scratch_operands = 0 : i64, tpu.core_type = #tpu.core_type<tc>, window_params = [{transform_indices = @transform_0, window_bounds = array<i64: 2, 1000, 128>}, {transform_indices = @transform_1, window_bounds = array<i64: 1000, 256>}, {pipeline_mode = #tpu.pipeline_mode<synchronous>, transform_indices = @transform_2, window_bounds = array<i64: 128, 1024>}, {pipeline_mode = #tpu.pipeline_mode<synchronous>, transform_indices = @transform_3, window_bounds = array<i64: 128, 1024>}, {pipeline_mode = #tpu.pipeline_mode<synchronous>, transform_indices = @transform_4, window_bounds = array<i64: 1, 1024>}, {pipeline_mode = #tpu.pipeline_mode<synchronous>, transform_indices = @transform_5, window_bounds = array<i64: 1024, 256>}, {pipeline_mode = #tpu.pipeline_mode<synchronous>, transform_indices = @transform_6, window_bounds = array<i64: 1, 256>}, {pipeline_mode = #tpu.pipeline_mode<synchronous>, transform_indices = @transform_7, window_bounds = array<i64: 1, 256>}, {pipeline_mode = #tpu.pipeline_mode<synchronous>, transform_indices = @transform_8, window_bounds = array<i64: 1, 256>}, {transform_indices = @transform_9, window_bounds = array<i64: 1000, 256>}]} {
    %get3A = arith.constant 0 : index
    %get3A_0 = arith.constant 0 : index
    %get3A_1 = arith.constant 0 : index
    %get3A_2 = vector.load %arg1[%get3A, %get3A_0, %get3A_1] : memref<2x1000x128xf32, #tpu.memory_space<vmem>>, vector<1x1000x128xf32>
    %get3A_3 = vector.shape_cast %get3A_2 : vector<1x1000x128xf32> to vector<1000x128xf32>
    %convert_element_type3A = arith.truncf %get3A_3 : vector<1000x128xf32> to vector<1000x128xbf16>
    %get3A_4 = arith.constant 1 : index
    %get3A_5 = arith.constant 0 : index
    %get3A_6 = arith.constant 0 : index
    %get3A_7 = vector.load %arg1[%get3A_4, %get3A_5, %get3A_6] : memref<2x1000x128xf32, #tpu.memory_space<vmem>>, vector<1x1000x128xf32>
    %get3A_8 = vector.shape_cast %get3A_7 : vector<1x1000x128xf32> to vector<1000x128xf32>
    %convert_element_type3A_9 = arith.truncf %get3A_8 : vector<1000x128xf32> to vector<1000x128xbf16>
    %get3A_10 = arith.constant 0 : index
    %get3A_11 = arith.constant 0 : index
    %get3A_12 = vector.load %arg3[%get3A_10, %get3A_11] : memref<128x1024xbf16, #tpu.memory_space<vmem>>, vector<128x1024xbf16>
    %dot_general3A = arith.constant dense<0.000000e+00> : vector<1000x1024xf32>
    %dot_general3A_13 = tpu.matmul %convert_element_type3A, %get3A_12, %dot_general3A {dimension_numbers = #tpu.dot_dimension_numbers<[1], [0], [0], [1], [0, 0, 1, 1], [], []>, transpose_lhs_hint = false} : vector<1000x128xbf16>, vector<128x1024xbf16>, vector<1000x1024xf32> -> vector<1000x1024xf32>
    %get3A_14 = arith.constant 0 : index
    %get3A_15 = arith.constant 0 : index
    %get3A_16 = vector.load %arg4[%get3A_14, %get3A_15] : memref<128x1024xbf16, #tpu.memory_space<vmem>>, vector<128x1024xbf16>
    %dot_general3A_17 = arith.constant dense<0.000000e+00> : vector<1000x1024xf32>
    %dot_general3A_18 = tpu.matmul %convert_element_type3A_9, %get3A_16, %dot_general3A_17 {dimension_numbers = #tpu.dot_dimension_numbers<[1], [0], [0], [1], [0, 0, 1, 1], [], []>, transpose_lhs_hint = false} : vector<1000x128xbf16>, vector<128x1024xbf16>, vector<1000x1024xf32> -> vector<1000x1024xf32>
    %add3A = arith.addf %dot_general3A_13, %dot_general3A_18 : vector<1000x1024xf32>
    %get3A_19 = arith.constant 0 : index
    %get3A_20 = arith.constant 0 : index
    %get3A_21 = vector.load %arg5[%get3A_19, %get3A_20] : memref<1x1024xf32, #tpu.memory_space<vmem>>, vector<1x1024xf32>
    %add3A_22 = vector.broadcast %get3A_21 : vector<1x1024xf32> to vector<1000x1024xf32>
    %add3A_23 = arith.addf %add3A, %add3A_22 : vector<1000x1024xf32>
    %max3A = arith.constant 0.000000e+00 : f32
    %max3A_24 = vector.broadcast %max3A : f32 to vector<1000x1024xf32>
    %max3A_25 = arith.maximumf %add3A_23, %max3A_24 : vector<1000x1024xf32>
    %convert_element_type3A_26 = arith.truncf %max3A_25 : vector<1000x1024xf32> to vector<1000x1024xbf16>
    %get3A_27 = arith.constant 0 : index
    %get3A_28 = arith.constant 0 : index
    %get3A_29 = vector.load %arg6[%get3A_27, %get3A_28] : memref<1024x256xbf16, #tpu.memory_space<vmem>>, vector<1024x256xbf16>
    %dot_general3A_30 = arith.constant dense<0.000000e+00> : vector<1000x256xf32>
    %dot_general3A_31 = tpu.matmul %convert_element_type3A_26, %get3A_29, %dot_general3A_30 {dimension_numbers = #tpu.dot_dimension_numbers<[1], [0], [0], [1], [0, 0, 1, 1], [], []>, transpose_lhs_hint = false} : vector<1000x1024xbf16>, vector<1024x256xbf16>, vector<1000x256xf32> -> vector<1000x256xf32>
    %get3A_32 = arith.constant 0 : index
    %get3A_33 = arith.constant 0 : index
    %get3A_34 = vector.load %arg7[%get3A_32, %get3A_33] : memref<1x256xf32, #tpu.memory_space<vmem>>, vector<1x256xf32>
    %add3A_35 = vector.broadcast %get3A_34 : vector<1x256xf32> to vector<1000x256xf32>
    %add3A_36 = arith.addf %dot_general3A_31, %add3A_35 : vector<1000x256xf32>
    %get3A_37 = arith.constant 0 : index
    %get3A_38 = arith.constant 0 : index
    %get3A_39 = vector.load %arg2[%get3A_37, %get3A_38] : memref<1000x256xf32, #tpu.memory_space<vmem>>, vector<1000x256xf32>
    %add3A_40 = arith.addf %add3A_36, %get3A_39 : vector<1000x256xf32>
    %reduce_sum3A = arith.constant dense<0.000000e+00> : vector<1000xf32>
    %reduce_sum3A_41 = vector.multi_reduction <add>, %add3A_40, %reduce_sum3A [1] : vector<1000x256xf32> to vector<1000xf32>
    %broadcast_in_dim3A = vector.shape_cast %reduce_sum3A_41 : vector<1000xf32> to vector<1000x1xf32>
    %div3A = arith.constant 2.560000e+02 : f32
    %div3A_42 = vector.broadcast %div3A : f32 to vector<1000x1xf32>
    %div3A_43 = arith.divf %broadcast_in_dim3A, %div3A_42 : vector<1000x1xf32>
    %sub3A = vector.broadcast %div3A_43 : vector<1000x1xf32> to vector<1000x256xf32>
    %sub3A_44 = arith.subf %add3A_40, %sub3A : vector<1000x256xf32>
    %mul3A = arith.mulf %sub3A_44, %sub3A_44 : vector<1000x256xf32>
    %reduce_sum3A_45 = arith.constant dense<0.000000e+00> : vector<1000xf32>
    %reduce_sum3A_46 = vector.multi_reduction <add>, %mul3A, %reduce_sum3A_45 [1] : vector<1000x256xf32> to vector<1000xf32>
    %broadcast_in_dim3A_47 = vector.shape_cast %reduce_sum3A_46 : vector<1000xf32> to vector<1000x1xf32>
    %div3A_48 = arith.constant 2.560000e+02 : f32
    %div3A_49 = vector.broadcast %div3A_48 : f32 to vector<1000x1xf32>
    %div3A_50 = arith.divf %broadcast_in_dim3A_47, %div3A_49 : vector<1000x1xf32>
    %add3A_51 = arith.constant 9.99999974E-6 : f32
    %add3A_52 = vector.broadcast %add3A_51 : f32 to vector<1000x1xf32>
    %add3A_53 = arith.addf %div3A_50, %add3A_52 : vector<1000x1xf32>
    %rsqrt3A = math.rsqrt %add3A_53 : vector<1000x1xf32>
    %mul3A_54 = vector.broadcast %rsqrt3A : vector<1000x1xf32> to vector<1000x256xf32>
    %mul3A_55 = arith.mulf %sub3A_44, %mul3A_54 : vector<1000x256xf32>
    %get3A_56 = arith.constant 0 : index
    %get3A_57 = arith.constant 0 : index
    %get3A_58 = vector.load %arg8[%get3A_56, %get3A_57] : memref<1x256xf32, #tpu.memory_space<vmem>>, vector<1x256xf32>
    %mul3A_59 = vector.broadcast %get3A_58 : vector<1x256xf32> to vector<1000x256xf32>
    %mul3A_60 = arith.mulf %mul3A_55, %mul3A_59 : vector<1000x256xf32>
    %get3A_61 = arith.constant 0 : index
    %get3A_62 = arith.constant 0 : index
    %get3A_63 = vector.load %arg9[%get3A_61, %get3A_62] : memref<1x256xf32, #tpu.memory_space<vmem>>, vector<1x256xf32>
    %add3A_64 = vector.broadcast %get3A_63 : vector<1x256xf32> to vector<1000x256xf32>
    %add3A_65 = arith.addf %mul3A_60, %add3A_64 : vector<1000x256xf32>
    %swap3A = arith.constant 0 : index
    %swap3A_66 = arith.constant 0 : index
    %swap3A_67 = vector.load %arg10[%swap3A, %swap3A_66] : memref<1000x256xf32, #tpu.memory_space<vmem>>, vector<1000x256xf32>
    tpu.vector_store %arg10[%swap3A, %swap3A_66], %add3A_65 {strides = array<i32>} : memref<1000x256xf32, #tpu.memory_space<vmem>>, vector<1000x256xf32>,
    return
  }
  func.func @transform_0(%arg0: i32) -> (i32, i32, i32) {
    %c0_i32 = arith.constant 0 : i32
    %c0_i32_0 = arith.constant 0 : i32
    %c0_i32_1 = arith.constant 0 : i32
    return %c0_i32, %arg0, %c0_i32_0 : i32, i32, i32
  }
  func.func @transform_1(%arg0: i32) -> (i32, i32) {
    %c0_i32 = arith.constant 0 : i32
    %c0_i32_0 = arith.constant 0 : i32
    return %arg0, %c0_i32 : i32, i32
  }
  func.func @transform_2(%arg0: i32) -> (i32, i32) {
    %c0_i32 = arith.constant 0 : i32
    %c0_i32_0 = arith.constant 0 : i32
    %c0_i32_1 = arith.constant 0 : i32
    return %c0_i32, %c0_i32_0 : i32, i32
  }
  func.func @transform_3(%arg0: i32) -> (i32, i32) {
    %c0_i32 = arith.constant 0 : i32
    %c0_i32_0 = arith.constant 0 : i32
    %c0_i32_1 = arith.constant 0 : i32
    return %c0_i32, %c0_i32_0 : i32, i32
  }
  func.func @transform_4(%arg0: i32) -> (i32, i32) {
    %c0_i32 = arith.constant 0 : i32
    %c0_i32_0 = arith.constant 0 : i32
    %c0_i32_1 = arith.constant 0 : i32
    return %c0_i32, %c0_i32_0 : i32, i32
  }
  func.func @transform_5(%arg0: i32) -> (i32, i32) {
    %c0_i32 = arith.constant 0 : i32
    %c0_i32_0 = arith.constant 0 : i32
    %c0_i32_1 = arith.constant 0 : i32
    return %c0_i32, %c0_i32_0 : i32, i32
  }
  func.func @transform_6(%arg0: i32) -> (i32, i32) {
    %c0_i32 = arith.constant 0 : i32
    %c0_i32_0 = arith.constant 0 : i32
    %c0_i32_1 = arith.constant 0 : i32
    return %c0_i32, %c0_i32_0 : i32, i32
  }
  func.func @transform_7(%arg0: i32) -> (i32, i32) {
    %c0_i32 = arith.constant 0 : i32
    %c0_i32_0 = arith.constant 0 : i32
    %c0_i32_1 = arith.constant 0 : i32
    return %c0_i32, %c0_i32_0 : i32, i32
  }
  func.func @transform_8(%arg0: i32) -> (i32, i32) {
    %c0_i32 = arith.constant 0 : i32
    %c0_i32_0 = arith.constant 0 : i32
    %c0_i32_1 = arith.constant 0 : i32
    return %c0_i32, %c0_i32_0 : i32, i32
  }
  func.func @transform_9(%arg0: i32) -> (i32, i32) {
    %c0_i32 = arith.constant 0 : i32
    %c0_i32_0 = arith.constant 0 : i32
    return %arg0, %c0_i32 : i32, i32
  }
}

</mosaic_0001>

<sc_bundles>
// kernel: kernel.4.cloned.1.call-start
scs
__scs_entry_jumppad:
0x0: {  	(pc) =	sbr.rel $0x88, $3  }
0x1: {  	(tag) =	ssettag $0x0;
	lr =	simm.s32 $0x1  }
0x2: {  	[smem:$0x3F99] =	sst lr;
	_ =	strace $0xD0000000  }
0x3: {  	_ = 	snop  }
0x4: {  	_ = 	snop  }
0x5: {  	_ = 	snop  }
0x6: {  	_ = 	snop  }
0x7: {  	_ = 	snop  }
__scs_overlays_trampoline_lowered:
0x8: {  	[smem:$0x3FA8] =	sst s0  }
0x9: {  	[smem:$0x3FA9] =	sst s1  }
0xa: {  	[smem:$0x3FAA] =	sst s2  }
0xb: {  	[smem:$0x3FAB] =	sst s3  }
0xc: {  	[smem:$0x3FAC] =	sst s4  }
0xd: {  	[smem:$0x3FAD] =	sst s5  }
0xe: {  	[smem:$0x3FAE] =	sst s6  }
0xf: {  	[smem:$0x3FAF] =	sst s7  }
0x10: {  	[smem:$0x3FB0] =	sst s8  }
0x11: {  	[smem:$0x3FB1] =	sst s9;
	s0 =	simm.s32 @!p0 $0x0  }
0x12: {  	s1 =	sld [smem:$0x3F97];
	s0 =	simm.s32 @p0 $0x1  }
0x13: {  	[smem:$0x3FB2] =	sst s0;
	s0 =	simm.s32 @!p1 $0x0  }
0x14: {  	s2 =	sld [smem:$0x3F96];
	s0 =	simm.s32 @p1 $0x1  }
0x15: {  	[smem:$0x3FB3] =	sst s0;
	s0 =	simm.s32 @!p2 $0x0  }
0x16: {  	s3 =	sld [smem:$0x3FDB];
	s0 =	simm.s32 @p2 $0x1  }
0x17: {  	s4 =	simm.s32 $0x1BF5;
	[smem:$0x3FB5] =	sst s0  }
0x18: {  	s0 =	sld [smem:$0x3F98];
	_ =	swait.ge [sflag:s4], $0x0  }
0x19: {  	s7 =	sld [smem:$0x3F99]  }
0x1a: {  	s8 =	sadd.s32 $0xFFFFE003, lr  }
0x1b: {  	s9 =	sadd.s32 $0xFFFFFEF7, lr;
	s5 =	simm.s32 $0xFFFFFFFF;
	p2 =	slt.u32 s8, $0xFFFFF086  }
0x1c: {  	p1 =	slt.u32 s9, $0xF7A;
	s5 =	simm.s32 @!p2 $0x0  }
0x1d: {  	s5 =	simm.s32 @p1 $0x1;
	p0 =	seq.s32 s7, s2  }
0x1e: {  	s7 =	smul.u32 @!p0 $0xF7A, s2;
	p2 =	seq.s32 @!p0 s5, $0x0  }
0x1f: {  	s9 =	smul.u32 $0xF7A, s1;
	s8 =	simm.s32 @!p0 $0x1BF5;
	p2 =	por !p2, p0  }
0x20: {  	[sflag:s8] =	ssyncset.s32 @!p0 $0xFFFFF086;
	s6 =	sadd.s32 @!p0 s3, s7;
	s7 =	simm.s32 @!p0 $0x108  }
0x21: {  	s3 =	sadd.s32 s3, s9;
	s6 =	sadd.s32 @!p0 $0x88, s6;
	s7 =	simm.s32 @p2 $0x1082  }
0x22: {  	[simem:s7], [sflag:s8] =	dma.local @!p0 [hbm:s6], $0xF7A  }
0x23: {  	s9 =	sor.u32 $0xD0000000, s2;
	s6 =	simm.s32 $0x108;
	_ =	swait.ge @!p0 [sflag:s8], $0x0  }
0x24: {  	s3 =	sadd.s32 $0x88, s3;
	s6 =	simm.s32 @!p1 $0x1082;
	[sflag:s4] =	ssyncset.s32 $0xFFFFF086  }
0x25: {  	[simem:s6], [sflag:s4] =	dma.local [hbm:s3], $0xF7A  }
0x26: {  	[smem:$0x3F99] =	sst s1;
	(tag) =	ssettag s2;
	_ =	strace s9  }
0x27: {  	s1 =	sld [smem:$0x3FA9]  }
0x28: {  	s2 =	sld [smem:$0x3FAA]  }
0x29: {  	s4 =	sld [smem:$0x3FAC]  }
0x2a: {  	p0 =	seq.s32 s5, $0x0;
	s5 =	sld [smem:$0x3FAD]  }
0x2b: {  	s6 =	sld [smem:$0x3FAE]  }
0x2c: {  	s7 =	sld [smem:$0x3FAF]  }
0x2d: {  	s3 =	simm.s32 $0x108;
	s8 =	sld [smem:$0x3FB0]  }
0x2e: {  	s3 =	simm.s32 @!p0 $0x1082;
	s9 =	sld [smem:$0x3FB1]  }
0x2f: {  	lr =	sadd.s32 s0, s3;
	s0 =	sld [smem:$0x3FA8]  }
0x30: {  	s3 =	sld [smem:$0x3FAB]  }
0x31: {  	[smem:$0x3FB4] =	sst s10  }
0x32: {  	s10 =	sld [smem:$0x3FB2];
	_ =	sdelay $0x3  }
0x33: {  	p0 =	seq.s32 s10, $0x1;
	s10 =	sld [smem:$0x3FB4];
	_ =	sdelay $0x3  }
0x34: {  	[smem:$0x3FB4] =	sst s10  }
0x35: {  	s10 =	sld [smem:$0x3FB3];
	_ =	sdelay $0x3  }
0x36: {  	p1 =	seq.s32 s10, $0x1;
	s10 =	sld [smem:$0x3FB4];
	_ =	sdelay $0x3  }
0x37: {  	[smem:$0x3FB4] =	sst s10  }
0x38: {  	s10 =	sld [smem:$0x3FB5]  }
0x39: {  	_ = 	snop;
	(pc) =	sbr.ind lr, $3  }
0x3a: {  	_ = 	snop  }
0x3b: {  	_ = 	snop  }
0x3c: {  	p2 =	seq.s32 s10, $0x1;
	s10 =	sld [smem:$0x3FB4]  }
0x3d: {  	_ =	shalt  }
0x3e: {  	_ =	shalt  }
0x3f: {  	_ =	shalt  }
0x40: {  	_ =	shalt  }
0x41: {  	_ =	shalt  }
0x42: {  	_ =	shalt  }
0x43: {  	_ =	shalt  }
0x44: {  	_ =	shalt  }
0x45: {  	_ =	shalt  }
0x46: {  	_ =	shalt  }
0x47: {  	_ =	shalt  }
0x48: {  	_ =	shalt  }
0x49: {  	_ =	shalt  }
0x4a: {  	_ =	shalt  }
0x4b: {  	_ =	shalt  }
0x4c: {  	_ =	shalt  }
0x4d: {  	_ =	shalt  }
0x4e: {  	_ =	shalt  }
0x4f: {  	_ =	shalt  }
0x50: {  	_ =	shalt  }
0x51: {  	_ =	shalt  }
0x52: {  	_ =	shalt  }
0x53: {  	_ =	shalt  }
0x54: {  	_ =	shalt  }
0x55: {  	_ =	shalt  }
0x56: {  	_ =	shalt  }
0x57: {  	_ =	shalt  }
0x58: {  	_ =	shalt  }
0x59: {  	_ =	shalt  }
0x5a: {  	_ =	shalt  }
0x5b: {  	_ =	shalt  }
0x5c: {  	_ =	shalt  }
0x5d: {  	_ =	shalt  }
0x5e: {  	_ =	shalt  }
0x5f: {  	_ =	shalt  }
0x60: {  	_ =	shalt  }
0x61: {  	_ =	shalt  }
0x62: {  	_ =	shalt  }
0x63: {  	_ =	shalt  }
0x64: {  	_ =	shalt  }
0x65: {  	_ =	shalt  }
0x66: {  	_ =	shalt  }
0x67: {  	_ =	shalt  }
0x68: {  	_ =	shalt  }
0x69: {  	_ =	shalt  }
0x6a: {  	_ =	shalt  }
0x6b: {  	_ =	shalt  }
0x6c: {  	_ =	shalt  }
0x6d: {  	_ =	shalt  }
0x6e: {  	_ =	shalt  }
0x6f: {  	_ =	shalt  }
0x70: {  	_ =	shalt  }
0x71: {  	_ =	shalt  }
0x72: {  	_ =	shalt  }
0x73: {  	_ =	shalt  }
0x74: {  	_ =	shalt  }
0x75: {  	_ =	shalt  }
0x76: {  	_ =	shalt  }
0x77: {  	_ =	shalt  }
0x78: {  	_ =	shalt  }
0x79: {  	_ =	shalt  }
0x7a: {  	_ =	shalt  }
0x7b: {  	_ =	shalt  }
0x7c: {  	_ =	shalt  }
0x7d: {  	_ =	shalt  }
0x7e: {  	_ =	shalt  }
0x7f: {  	_ =	shalt  }
0x80: {  	_ =	shalt  }
0x81: {  	_ =	shalt  }
0x82: {  	_ =	shalt  }
0x83: {  	_ =	shalt  }
0x84: {  	_ =	shalt  }
0x85: {  	_ =	shalt  }
0x86: {  	_ =	shalt  }
0x87: {  	_ =	shalt  }
.Lfunc_end0:
.L_simem_size_0:
called_computation_lowered:
.L_overlay_start_0:
0x88: {  	s2 =	sld [smem:$0x3FD9]  }
0x89: {  	s3 =	sld [smem:$0x3FFE];
	_ =	sdelay $0x1  }
0x8a: {  	s1 =	srdreg.scid  }
0x8b: {  	s0 =	sand.u32 $0x1, s1  }
0x8c: {  	s17 =	sshll.u32 s0, $0xA;
	s2 =	sadd.s32 s3, s2  }
0x8d: {  	s2 =	sadd.s32 s2, s17  }
0x8e: {  	[smem:$0x3FC0] =	sst s2  }
0x8f: {  	_ = 	snop  }
0x90: {  	s2 =	sld [smem:$0x3FC9]  }
0x91: {  	s18 =	sld [smem:$0x3FD0];
	(tm) =	ssettm $0x1  }
0x92: {  	s4 =	sld [smem:$0x3FFB];
	_ =	sdelay $0x3  }
0x93: {  	_ =	strace s4  }
0x94: {  	s4 =	sld [smem:$0x3FFC];
	_ =	sdelay $0x3  }
0x95: {  	_ =	strace s4  }
0x96: {  	s4 =	sld [smem:$0x3FFD];
	_ =	sdelay $0x3  }
0x97: {  	_ =	strace s4  }
0x98: {  	_ =	strace $0x8FFFFFFF  }
0x99: {  	s19 =	sld [smem:$0x3FDB];
	_ =	sdelay $0x1  }
0x9a: {  	s5 =	simm.s32 $_scs_section_size  }
0x9b: {  	s6 =	simm.s32 $_size__tile_overlayer_lowered;
	s7 =	simm.s32 $_tile_overlayer_lowered  }
0x9c: {  	s22 =	simm.s32 $0x1BFF;
	s21 =	sshll.u32 s7, $0x1;
	s4 =	sadd.s32 s5, s19  }
0x9d: {  	s8 =	simm.s32 $0x0;
	s20 =	sshll.u32 s6, $0x1;
	s6 =	sadd.s32 s21, s4  }
0x9e: {  	[timem:s8], [sflag:s22] =	dma.local [hbm:s6], s20  }
0x9f: {  	_ =	swait.ge [sflag:s22], s20  }
0xa0: {  	s5 =	ssub.s32 $0x0, s20;
	[sflag:s22] =	ssyncset.done $0x0  }
0xa1: {  	[sflag:s22] =	ssyncadd.s32 s5;
	_ =	sdelay $0x1  }
0xa2: {  	s23 =	simm.s32 $0x1B8B  }
0xa3: {  	_ =	swait.ge [sflag:s23], $0x1  }
0xa4: {  	[sflag:s23] =	ssyncset.done $0x0  }
0xa5: {  	s25 =	simm.s32 $0x1B8E;
	s24 =	sld [smem:$0x3FFE];
	[sflag:s23] =	ssyncadd.s32 $0xFFFFFFFF  }
0xa6: {  	s26 =	simm.s32 $execute0_lowered;
	[smem:$0x3FD2] =	sst s25  }
0xa7: {  	s6 =	sshll.u32 s26, $0x1;
	_ =	strace $0x80000046;
	[dreg:$0x1] =	wrdreg $0xFFFFFFFF  }
0xa8: {  	s28 =	simm.s32 $_size_execute0_lowered;
	s4 =	sadd.s32 s4, s6;
	[dreg:$0x0] =	wrdreg $0x0  }
0xa9: {  	s6 =	sshll.u32 s28, $0x1;
	[dreg:$0x2] =	wrdreg s4  }
0xaa: {  	[dreg:$0x3] =	wrdreg s6  }
0xab: {  	[dreg:$0x4] =	wrdreg $0xC0  }
0xac: {  	_ =	task [dreg:s8], $0x5FFFF  }
0xad: {  	[dreg:$0x1] =	wrdreg $0xFFFFFFFF  }
0xae: {  	[dreg:$0x0] =	wrdreg $0x60  }
0xaf: {  	[dreg:$0x2] =	wrdreg s2  }
0xb0: {  	[dreg:$0x3] =	wrdreg s18  }
0xb1: {  	[dreg:$0x4] =	wrdreg s24  }
0xb2: {  	[dreg:$0x5] =	wrdreg $0x41000  }
0xb3: {  	[dreg:$0x6] =	wrdreg $0x9  }
0xb4: {  	_ =	task.clear_ibuf [dreg:s8], $0x7FFFF;
	_ =	strace $0x90000046  }
0xb5: {  	s29 =	simm.s32 $0x9;
	_ =	strace $0x80000048  }
0xb6: {  	_ =	swait.ge [sflag:s29], $0x1  }
0xb7: {  	[sflag:s29] =	ssyncadd.s32 $0xFFFFFFFF  }
0xb8: {  	_ =	strace $0x90000048  }
0xb9: {  	_ =	sfence  }
0xba: {  	s30 =	sld [smem:$0x0];
	_ =	sdelay $0x2  }
0xbb: {  	s31 =	sshll.u32 s1, $0xD;
	s1 =	sshrl.u32 s1, $0x2  }
0xbc: {  	s3 =	sand.u32 $0x4000, s31;
	s1 =	sadd.s32 s1, s30  }
0xbd: {  	s0 =	sor.u32 s3, s0;
	s1 =	sshll.u32 s1, $0x11  }
0xbe: {  	s0 =	sor.u32 s1, s0  }
0xbf: {  	s0 =	sadd.s32 $0x8F2B, s0  }
0xc0: {  	[sflag:s0] =	ssyncadd.remote.s32 $0x1  }
0xc1: {  	_ =	sfence.sel $0xFFFF  }
0xc2: {  	[dreg:$0x0] =	wrdreg $0xFFFFFFFF;
	(pc) =	sbr.abs _section_cstart, $3  }
0xc3: {  	[dreg:$0x1] =	wrdreg $0xFFFFFFFF  }
0xc4: {  	_ =	task.clear_ibuf [dreg:s8], $0x2FFFF;
	_ =	strace $0x9FFFFFFF  }
0xc5: {  	(tm) =	ssettm $0x7FFFFFFF  }
tec
execute0_lowered:
.L_overlay_start_1:
0x0: {  	(tag) =	ssettag $0x1  }
0x1: {  	s0 =	rddreg [dreg:$0x0]  }
0x2: {  	s1 =	rddreg [dreg:$0x1]  }
0x3: {  	s2 =	rddreg [dreg:$0x2]  }
0x4: {  	s11 =	rddreg [dreg:$0x3]  }
0x5: {  	s3 =	srdreg.scid;
	s10 =	stileid.u32;
	s14 =	simm.s32 $0x180  }
0x6: {  	s13 =	simm.s32 $0x80;
	s31 =	simm.s32 $0x100;
	s15 =	simm.s32 $0x3900  }
0x7: {  	s16 =	simm.s32 $0x3980;
	s17 =	simm.s32 $0x3A00;
	s18 =	simm.s32 $0x3A80  }
0x8: {  	s28 =	simm.s32 $0x3F00;
	s29 =	simm.s32 $0x3F80;
	s6 =	smul.u32 $0x13C00, s10  }
0x9: {  	s30 =	simm.s32 $0x4000;
	s12 =	simm.s32 $0x4080;
	s20 =	smul.u32 $0x2780, s10  }
0xa: {  	s4 =	sand.u32 $0x1, s3;
	s3 =	simm.s32 $0x0;
	s9 =	smul.u32 $0x4F000, s10  }
0xb: {  	s8 =	sadd.s32 $0x1800, s2;
	s7 =	sadd.s32 $0x6800, s2;
	s10 =	smul.u32 $0x4F0, s10  }
0xc: {  	s5 =	smul.u32 $0x13C000, s4;
	[smem:$0x7FF] =	sst s3;
	s19 =	ssub.s32 $0x2, s4  }
0xd: {  	s4 =	sshll.u32 s4, $0x7;
	_ =	strace $0x80000047;
	[dreg:$0x7] =	wrdreg s7  }
0xe: {  	s21 =	sshrl.u32 s19, $0x1;
	s22 =	sshrl.u32 s20, $0x3;
	s23 =	sshrl.u32 s9, $0x2  }
0xf: {  	s24 =	sadd.s32 s10, s8;
	s25 =	sadd.s32 s10, s1;
	s9 =	simm.s32 $0x1  }
0x10: {  	s20 =	simm.s32 $0x3B80;
	s5 =	sadd.s32 s6, s5;
	s7 =	sadd.s32 s1, s22  }
0x11: {  	s6 =	sadd.s32 s8, s22;
	[dreg:$0x5] =	wrdreg s24;
	s1 =	smov.u32 s11  }
0x12: {  	[dreg:$0x6] =	wrdreg s25;
	s8 =	simm.s32 $0x3880;
	s22 =	simm.s32 $0x3C80  }
0x13: {  	s24 =	simm.s32 $0x3D80;
	s25 =	simm.s32 $0x3E00;
	[dreg:$0x8] =	wrdreg s7  }
0x14: {  	v0 =	vimm.s32 $0x7;
	s5 =	sshrl.u32 s5, $0x3;
	[dreg:$0x9] =	wrdreg s6;
	s7 =	sadd.s32 s0, s4  }
0x15: {  	v1 =	vimm.s32 $0x1;
	v2 =	vimm.s32 $0x0;
	v3 =	vlaneseq.u32;
	s0 =	sadd.s32 s23, s11;
	s11 =	simm.s32 $0x2;
	s4 =	simm.s32 $0x0  }
0x16: {  	vm0 =	vmmov $0x1;
	v4 =	vimm.s32 $0x2;
	v5 =	vimm.s32 $0x3;
	s6 =	simm.s32 $0x3800;
	s23 =	simm.s32 $0x3D00;
	s2 =	sadd.s32 s5, s2  }
0x17: {  	v6 =	vimm.s32 $0x4;
	v7 =	vimm.s32 $0x5;
	v8 =	vimm.s32 $0x6;
	s5 =	ssub.s32 s19, s21;
	[dreg:$0xa] =	wrdreg s0;
	s0 =	simm.s32 $0x80  }
0x18: {  	v9 =	vimm.s32 $0x8;
	v10 =	vimm.s32 $0x9;
	v11 =	vimm.s32 $0xA;
	s19 =	simm.s32 $0x3B00;
	s21 =	simm.s32 $0x3C00;
	s2 =	sadd.s32 $0x9000, s2  }
0x19: {  	v12 =	vimm.s32 $0xB;
	v13 =	vimm.s32 $0xC;
	v14 =	vimm.s32 $0xD;
	s26 =	smax.u32 s5, $0x1;
	s5 =	simm.s32 $0x3780;
	[dreg:$0xb] =	wrdreg s2  }
0x1a: {  	v15 =	vimm.s32 $0xE;
	v16 =	vimm.s32 $0xF;
	v3 =	vmul.u32 $0x8, v3;
	[dreg:$0xc] =	wrdreg s26;
	s2 =	simm.s32 $0x100;
	s26 =	simm.s32 $0x3E80  }
.LBB2_1:
0x1b: {  	[dreg:$0xd] =	wrdreg s4  }
0x1c: {  	s10 =	rddreg [dreg:$0x8]  }
0x1d: {  	[tilespmem:s3], [sflag:$0x2] =	stream.linear.gather [hbm4b:s10+s3], $0x80, $0x38;
	[tilespmem:$0x17D00] =	vst v63  }
0x1e: {  	_ =	swait.ge [sflag:s11], $0x80  }
0x1f: {  	[sflag:s11] =	ssyncset.done $0x0  }
0x20: {  	s4 =	rddreg [dreg:$0x9];
	[sflag:s11] =	ssyncadd.s32 $0xFFFFFF80  }
0x21: {  	[tilespmem:s0], [sflag:$0x2] =	stream.linear.gather [hbm4b:s4+s3], $0x80, $0x38;
	[tilespmem:$0x17D00] =	vst v63  }
0x22: {  	_ =	swait.ge [sflag:s11], $0x80  }
0x23: {  	[sflag:s11] =	ssyncset.done $0x0  }
0x24: {  	[sflag:s11] =	ssyncadd.s32 $0xFFFFFF80  }
0x25: {  	v17 =	vld [tilespmem:$0x0];
	_ =	sdelay $0x4  }
0x26: {  	v18 =	vshll.u32 v17, $0x1  }
0x27: {  	v17 =	vand.u32 $0x7, v17;
	v18 =	vand.u32 $0xFFFFFFF0, v18  }
0x28: {  	v17 =	vor.u32 v17, v18  }
0x29: {  	v18 =	vperm.xlane v17, v2;
	_ =	sdelay $0x1  }
0x2a: {  	v19 =	vperm.xlane v17, v1;
	v18 =	vadd.s32 v3, v18;
	_ =	sdelay $0x1  }
0x2b: {  	v20 =	vperm.xlane v17, v4;
	v19 =	vadd.s32 v3, v19;
	_ =	sdelay $0x1  }
0x2c: {  	v21 =	vperm.xlane v17, v5;
	v20 =	vadd.s32 v3, v20  }
0x2d: {  	[tilespmem:s2], [sflag:$0x1] =	stream.indirect_vreg.gather [hbm4b:s7+s3], $0x80, v18, vm0, $0xb8;
	[tilespmem:$0x17D00] =	vst v63  }
0x2e: {  	v50 =	vperm.xlane v17, v6;
	v18 =	vadd.s32 v3, v21  }
0x2f: {  	[tilespmem:s14], [sflag:$0x1] =	stream.indirect_vreg.gather [hbm4b:s7+s3], $0x80, v19, vm0, $0xb8;
	[tilespmem:$0x17D00] =	vst v63  }
0x30: {  	v51 =	vperm.xlane v17, v7;
	v19 =	vadd.s32 v3, v50;
	s14 =	simm.s32 $0x200  }
0x31: {  	[tilespmem:s14], [sflag:$0x1] =	stream.indirect_vreg.gather [hbm4b:s7+s3], $0x80, v20, vm0, $0xb8;
	[tilespmem:$0x17D00] =	vst v63  }
0x32: {  	v53 =	vperm.xlane v17, v8;
	v52 =	vadd.s32 v3, v51;
	s2 =	simm.s32 $0x280  }
0x33: {  	[tilespmem:s2], [sflag:$0x1] =	stream.indirect_vreg.gather [hbm4b:s7+s3], $0x80, v18, vm0, $0xb8;
	[tilespmem:$0x17D00] =	vst v63  }
0x34: {  	s4 =	simm.s32 $0x300;
	v54 =	vperm.xlane v17, v0;
	v18 =	vadd.s32 v3, v53  }
0x35: {  	[tilespmem:s4], [sflag:$0x1] =	stream.indirect_vreg.gather [hbm4b:s7+s3], $0x80, v19, vm0, $0xb8;
	[tilespmem:$0x17D00] =	vst v63  }
0x36: {  	s10 =	simm.s32 $0x380;
	v55 =	vperm.xlane v17, v9;
	v19 =	vadd.s32 v3, v54  }
0x37: {  	[tilespmem:s10], [sflag:$0x1] =	stream.indirect_vreg.gather [hbm4b:s7+s3], $0x80, v52, vm0, $0xb8;
	[tilespmem:$0x17D00] =	vst v63  }
0x38: {  	v57 =	vperm.xlane v17, v10;
	v56 =	vadd.s32 v3, v55;
	s14 =	simm.s32 $0x400  }
0x39: {  	[tilespmem:s14], [sflag:$0x1] =	stream.indirect_vreg.gather [hbm4b:s7+s3], $0x80, v18, vm0, $0xb8;
	[tilespmem:$0x17D00] =	vst v63  }
0x3a: {  	v58 =	vperm.xlane v17, v11;
	s2 =	simm.s32 $0x480;
	v18 =	vadd.s32 v3, v57  }
0x3b: {  	[tilespmem:s2], [sflag:$0x1] =	stream.indirect_vreg.gather [hbm4b:s7+s3], $0x80, v19, vm0, $0xb8;
	[tilespmem:$0x17D00] =	vst v63  }
0x3c: {  	v59 =	vperm.xlane v17, v12;
	s4 =	simm.s32 $0x500;
	v19 =	vadd.s32 v3, v58  }
0x3d: {  	[tilespmem:s4], [sflag:$0x1] =	stream.indirect_vreg.gather [hbm4b:s7+s3], $0x80, v56, vm0, $0xb8;
	[tilespmem:$0x17D00] =	vst v63  }
0x3e: {  	v61 =	vperm.xlane v17, v13;
	v60 =	vadd.s32 v3, v59;
	s10 =	simm.s32 $0x580  }
0x3f: {  	[tilespmem:s10], [sflag:$0x1] =	stream.indirect_vreg.gather [hbm4b:s7+s3], $0x80, v18, vm0, $0xb8;
	[tilespmem:$0x17D00] =	vst v63  }
0x40: {  	v62 =	vperm.xlane v17, v14;
	s14 =	simm.s32 $0x600;
	v18 =	vadd.s32 v3, v61  }
0x41: {  	[tilespmem:s14], [sflag:$0x1] =	stream.indirect_vreg.gather [hbm4b:s7+s3], $0x80, v19, vm0, $0xb8;
	[tilespmem:$0x17D00] =	vst v63  }
0x42: {  	v63 =	vperm.xlane v17, v15;
	s2 =	simm.s32 $0x680;
	v19 =	vadd.s32 v3, v62  }
0x43: {  	[tilespmem:s2], [sflag:$0x1] =	stream.indirect_vreg.gather [hbm4b:s7+s3], $0x80, v60, vm0, $0xb8;
	[tilespmem:$0x17D00] =	vst v63  }
0x44: {  	v17 =	vperm.xlane v17, v16;
	v24 =	vadd.s32 v3, v63;
	s4 =	simm.s32 $0x700  }
0x45: {  	[tilespmem:s4], [sflag:$0x1] =	stream.indirect_vreg.gather [hbm4b:s7+s3], $0x80, v18, vm0, $0xb8;
	[tilespmem:$0x17D00] =	vst v63  }
0x46: {  	v17 =	vadd.s32 v3, v17;
	s10 =	simm.s32 $0x780  }
0x47: {  	[tilespmem:s10], [sflag:$0x1] =	stream.indirect_vreg.gather [hbm4b:s7+s3], $0x80, v19, vm0, $0xb8;
	[tilespmem:$0x17D00] =	vst v63  }
0x48: {  	s14 =	simm.s32 $0x800  }
0x49: {  	[tilespmem:s14], [sflag:$0x1] =	stream.indirect_vreg.gather [hbm4b:s7+s3], $0x80, v24, vm0, $0xb8;
	[tilespmem:$0x17D00] =	vst v63  }
0x4a: {  	s2 =	simm.s32 $0x880  }
0x4b: {  	[tilespmem:s2], [sflag:$0x1] =	stream.indirect_vreg.gather [hbm4b:s7+s3], $0x80, v17, vm0, $0xb8;
	[tilespmem:$0x17D00] =	vst v63  }
0x4c: {  	v17 =	vld [tilespmem:$0x10];
	_ =	sdelay $0x4  }
0x4d: {  	v18 =	vshll.u32 v17, $0x1  }
0x4e: {  	v17 =	vand.u32 $0x7, v17;
	v18 =	vand.u32 $0xFFFFFFF0, v18  }
0x4f: {  	v17 =	vor.u32 v17, v18  }
0x50: {  	v18 =	vperm.xlane v17, v2;
	_ =	sdelay $0x1  }
0x51: {  	v19 =	vperm.xlane v17, v1;
	v18 =	vadd.s32 v3, v18;
	_ =	sdelay $0x1  }
0x52: {  	v25 =	vperm.xlane v17, v4;
	v19 =	vadd.s32 v3, v19;
	_ =	sdelay $0x1  }
0x53: {  	s4 =	simm.s32 $0x900;
	v26 =	vperm.xlane v17, v5;
	v20 =	vadd.s32 v3, v25  }
0x54: {  	[tilespmem:s4], [sflag:$0x1] =	stream.indirect_vreg.gather [hbm4b:s7+s3], $0x80, v18, vm0, $0xb8;
	[tilespmem:$0x17D00] =	vst v63  }
0x55: {  	s10 =	simm.s32 $0x980;
	v27 =	vperm.xlane v17, v6;
	v18 =	vadd.s32 v3, v26  }
0x56: {  	[tilespmem:s10], [sflag:$0x1] =	stream.indirect_vreg.gather [hbm4b:s7+s3], $0x80, v19, vm0, $0xb8;
	[tilespmem:$0x17D00] =	vst v63  }
0x57: {  	s14 =	simm.s32 $0xA00;
	v28 =	vperm.xlane v17, v7;
	v19 =	vadd.s32 v3, v27  }
0x58: {  	[tilespmem:s14], [sflag:$0x1] =	stream.indirect_vreg.gather [hbm4b:s7+s3], $0x80, v20, vm0, $0xb8;
	[tilespmem:$0x17D00] =	vst v63  }
0x59: {  	s2 =	simm.s32 $0xA80;
	v30 =	vperm.xlane v17, v8;
	v29 =	vadd.s32 v3, v28  }
0x5a: {  	[tilespmem:s2], [sflag:$0x1] =	stream.indirect_vreg.gather [hbm4b:s7+s3], $0x80, v18, vm0, $0xb8;
	[tilespmem:$0x17D00] =	vst v63  }
0x5b: {  	v31 =	vperm.xlane v17, v0;
	s4 =	simm.s32 $0xB00;
	v18 =	vadd.s32 v3, v30  }
0x5c: {  	[tilespmem:s4], [sflag:$0x1] =	stream.indirect_vreg.gather [hbm4b:s7+s3], $0x80, v19, vm0, $0xb8;
	[tilespmem:$0x17D00] =	vst v63  }
0x5d: {  	v32 =	vperm.xlane v17, v9;
	s10 =	simm.s32 $0xB80;
	v19 =	vadd.s32 v3, v31  }
0x5e: {  	[tilespmem:s10], [sflag:$0x1] =	stream.indirect_vreg.gather [hbm4b:s7+s3], $0x80, v29, vm0, $0xb8;
	[tilespmem:$0x17D00] =	vst v63  }
0x5f: {  	v34 =	vperm.xlane v17, v10;
	v33 =	vadd.s32 v3, v32;
	s14 =	simm.s32 $0xC00  }
0x60: {  	[tilespmem:s14], [sflag:$0x1] =	stream.indirect_vreg.gather [hbm4b:s7+s3], $0x80, v18, vm0, $0xb8;
	[tilespmem:$0x17D00] =	vst v63  }
0x61: {  	v35 =	vperm.xlane v17, v11;
	s2 =	simm.s32 $0xC80;
	v18 =	vadd.s32 v3, v34  }
0x62: {  	[tilespmem:s2], [sflag:$0x1] =	stream.indirect_vreg.gather [hbm4b:s7+s3], $0x80, v19, vm0, $0xb8;
	[tilespmem:$0x17D00] =	vst v63  }
0x63: {  	v36 =	vperm.xlane v17, v12;
	s4 =	simm.s32 $0xD00;
	v19 =	vadd.s32 v3, v35  }
0x64: {  	[tilespmem:s4], [sflag:$0x1] =	stream.indirect_vreg.gather [hbm4b:s7+s3], $0x80, v33, vm0, $0xb8;
	[tilespmem:$0x17D00] =	vst v63  }
0x65: {  	v38 =	vperm.xlane v17, v13;
	v37 =	vadd.s32 v3, v36;
	s10 =	simm.s32 $0xD80  }
0x66: {  	[tilespmem:s10], [sflag:$0x1] =	stream.indirect_vreg.gather [hbm4b:s7+s3], $0x80, v18, vm0, $0xb8;
	[tilespmem:$0x17D00] =	vst v63  }
0x67: {  	v39 =	vperm.xlane v17, v14;
	s14 =	simm.s32 $0xE00;
	v18 =	vadd.s32 v3, v38  }
0x68: {  	[tilespmem:s14], [sflag:$0x1] =	stream.indirect_vreg.gather [hbm4b:s7+s3], $0x80, v19, vm0, $0xb8;
	[tilespmem:$0x17D00] =	vst v63  }
0x69: {  	v40 =	vperm.xlane v17, v15;
	s2 =	simm.s32 $0xE80;
	v19 =	vadd.s32 v3, v39  }
0x6a: {  	[tilespmem:s2], [sflag:$0x1] =	stream.indirect_vreg.gather [hbm4b:s7+s3], $0x80, v37, vm0, $0xb8;
	[tilespmem:$0x17D00] =	vst v63  }
0x6b: {  	v17 =	vperm.xlane v17, v16;
	v41 =	vadd.s32 v3, v40;
	s4 =	simm.s32 $0xF00  }
0x6c: {  	[tilespmem:s4], [sflag:$0x1] =	stream.indirect_vreg.gather [hbm4b:s7+s3], $0x80, v18, vm0, $0xb8;
	[tilespmem:$0x17D00] =	vst v63  }
0x6d: {  	v17 =	vadd.s32 v3, v17;
	s10 =	simm.s32 $0xF80  }
0x6e: {  	[tilespmem:s10], [sflag:$0x1] =	stream.indirect_vreg.gather [hbm4b:s7+s3], $0x80, v19, vm0, $0xb8;
	[tilespmem:$0x17D00] =	vst v63  }
0x6f: {  	s14 =	simm.s32 $0x1000  }
0x70: {  	[tilespmem:s14], [sflag:$0x1] =	stream.indirect_vreg.gather [hbm4b:s7+s3], $0x80, v41, vm0, $0xb8;
	[tilespmem:$0x17D00] =	vst v63  }
0x71: {  	s2 =	simm.s32 $0x1080  }
0x72: {  	[tilespmem:s2], [sflag:$0x1] =	stream.indirect_vreg.gather [hbm4b:s7+s3], $0x80, v17, vm0, $0xb8;
	[tilespmem:$0x17D00] =	vst v63  }
0x73: {  	v17 =	vld [tilespmem:$0x20];
	_ =	sdelay $0x4  }
0x74: {  	v18 =	vshll.u32 v17, $0x1  }
0x75: {  	v17 =	vand.u32 $0x7, v17;
	v18 =	vand.u32 $0xFFFFFFF0, v18  }
0x76: {  	v17 =	vor.u32 v17, v18  }
0x77: {  	v18 =	vperm.xlane v17, v2;
	_ =	sdelay $0x1  }
0x78: {  	v19 =	vperm.xlane v17, v1;
	v18 =	vadd.s32 v3, v18;
	_ =	sdelay $0x1  }
0x79: {  	v42 =	vperm.xlane v17, v4;
	v19 =	vadd.s32 v3, v19;
	_ =	sdelay $0x1  }
0x7a: {  	s4 =	simm.s32 $0x1100;
	v43 =	vperm.xlane v17, v5;
	v20 =	vadd.s32 v3, v42  }
0x7b: {  	[tilespmem:s4], [sflag:$0x1] =	stream.indirect_vreg.gather [hbm4b:s7+s3], $0x80, v18, vm0, $0xb8;
	[tilespmem:$0x17D00] =	vst v63  }
0x7c: {  	s10 =	simm.s32 $0x1180;
	v44 =	vperm.xlane v17, v6;
	v18 =	vadd.s32 v3, v43  }
0x7d: {  	[tilespmem:s10], [sflag:$0x1] =	stream.indirect_vreg.gather [hbm4b:s7+s3], $0x80, v19, vm0, $0xb8;
	[tilespmem:$0x17D00] =	vst v63  }
0x7e: {  	s14 =	simm.s32 $0x1200;
	v45 =	vperm.xlane v17, v7;
	v19 =	vadd.s32 v3, v44  }
0x7f: {  	[tilespmem:s14], [sflag:$0x1] =	stream.indirect_vreg.gather [hbm4b:s7+s3], $0x80, v20, vm0, $0xb8;
	[tilespmem:$0x17D00] =	vst v63  }
0x80: {  	s2 =	simm.s32 $0x1280;
	v47 =	vperm.xlane v17, v8;
	v46 =	vadd.s32 v3, v45  }
0x81: {  	[tilespmem:s2], [sflag:$0x1] =	stream.indirect_vreg.gather [hbm4b:s7+s3], $0x80, v18, vm0, $0xb8;
	[tilespmem:$0x17D00] =	vst v63  }
0x82: {  	v48 =	vperm.xlane v17, v0;
	s4 =	simm.s32 $0x1300;
	v18 =	vadd.s32 v3, v47  }
0x83: {  	[tilespmem:s4], [sflag:$0x1] =	stream.indirect_vreg.gather [hbm4b:s7+s3], $0x80, v19, vm0, $0xb8;
	[tilespmem:$0x17D00] =	vst v63  }
0x84: {  	v49 =	vperm.xlane v17, v9;
	s10 =	simm.s32 $0x1380;
	v19 =	vadd.s32 v3, v48  }
0x85: {  	[tilespmem:s10], [sflag:$0x1] =	stream.indirect_vreg.gather [hbm4b:s7+s3], $0x80, v46, vm0, $0xb8;
	[tilespmem:$0x17D00] =	vst v63  }
0x86: {  	v51 =	vperm.xlane v17, v10;
	v50 =	vadd.s32 v3, v49;
	s14 =	simm.s32 $0x1400  }
0x87: {  	[tilespmem:s14], [sflag:$0x1] =	stream.indirect_vreg.gather [hbm4b:s7+s3], $0x80, v18, vm0, $0xb8;
	[tilespmem:$0x17D00] =	vst v63  }
0x88: {  	v52 =	vperm.xlane v17, v11;
	s2 =	simm.s32 $0x1480;
	v18 =	vadd.s32 v3, v51  }
0x89: {  	[tilespmem:s2], [sflag:$0x1] =	stream.indirect_vreg.gather [hbm4b:s7+s3], $0x80, v19, vm0, $0xb8;
	[tilespmem:$0x17D00] =	vst v63  }
0x8a: {  	v53 =	vperm.xlane v17, v12;
	s4 =	simm.s32 $0x1500;
	v19 =	vadd.s32 v3, v52  }
0x8b: {  	[tilespmem:s4], [sflag:$0x1] =	stream.indirect_vreg.gather [hbm4b:s7+s3], $0x80, v50, vm0, $0xb8;
	[tilespmem:$0x17D00] =	vst v63  }
0x8c: {  	v55 =	vperm.xlane v17, v13;
	v54 =	vadd.s32 v3, v53;
	s10 =	simm.s32 $0x1580  }
0x8d: {  	[tilespmem:s10], [sflag:$0x1] =	stream.indirect_vreg.gather [hbm4b:s7+s3], $0x80, v18, vm0, $0xb8;
	[tilespmem:$0x17D00] =	vst v63  }
0x8e: {  	v56 =	vperm.xlane v17, v14;
	s14 =	simm.s32 $0x1600;
	v18 =	vadd.s32 v3, v55  }
0x8f: {  	[tilespmem:s14], [sflag:$0x1] =	stream.indirect_vreg.gather [hbm4b:s7+s3], $0x80, v19, vm0, $0xb8;
	[tilespmem:$0x17D00] =	vst v63  }
0x90: {  	v57 =	vperm.xlane v17, v15;
	s2 =	simm.s32 $0x1680;
	v19 =	vadd.s32 v3, v56  }
0x91: {  	[tilespmem:s2], [sflag:$0x1] =	stream.indirect_vreg.gather [hbm4b:s7+s3], $0x80, v54, vm0, $0xb8;
	[tilespmem:$0x17D00] =	vst v63  }
0x92: {  	v17 =	vperm.xlane v17, v16;
	v58 =	vadd.s32 v3, v57;
	s4 =	simm.s32 $0x1700  }
0x93: {  	[tilespmem:s4], [sflag:$0x1] =	stream.indirect_vreg.gather [hbm4b:s7+s3], $0x80, v18, vm0, $0xb8;
	[tilespmem:$0x17D00] =	vst v63  }
0x94: {  	v17 =	vadd.s32 v3, v17;
	s10 =	simm.s32 $0x1780  }
0x95: {  	[tilespmem:s10], [sflag:$0x1] =	stream.indirect_vreg.gather [hbm4b:s7+s3], $0x80, v19, vm0, $0xb8;
	[tilespmem:$0x17D00] =	vst v63  }
0x96: {  	s14 =	simm.s32 $0x1800  }
0x97: {  	[tilespmem:s14], [sflag:$0x1] =	stream.indirect_vreg.gather [hbm4b:s7+s3], $0x80, v58, vm0, $0xb8;
	[tilespmem:$0x17D00] =	vst v63  }
0x98: {  	s2 =	simm.s32 $0x1880  }
0x99: {  	[tilespmem:s2], [sflag:$0x1] =	stream.indirect_vreg.gather [hbm4b:s7+s3], $0x80, v17, vm0, $0xb8;
	[tilespmem:$0x17D00] =	vst v63  }
0x9a: {  	v17 =	vld [tilespmem:$0x30];
	_ =	sdelay $0x4  }
0x9b: {  	v18 =	vshll.u32 v17, $0x1  }
0x9c: {  	v17 =	vand.u32 $0x7, v17;
	v18 =	vand.u32 $0xFFFFFFF0, v18  }
0x9d: {  	v17 =	vor.u32 v17, v18  }
0x9e: {  	v18 =	vperm.xlane v17, v2;
	_ =	sdelay $0x1  }
0x9f: {  	v19 =	vperm.xlane v17, v1;
	v18 =	vadd.s32 v3, v18;
	_ =	sdelay $0x1  }
0xa0: {  	v59 =	vperm.xlane v17, v4;
	v19 =	vadd.s32 v3, v19;
	_ =	sdelay $0x1  }
0xa1: {  	s4 =	simm.s32 $0x1900;
	v60 =	vperm.xlane v17, v5;
	v20 =	vadd.s32 v3, v59  }
0xa2: {  	[tilespmem:s4], [sflag:$0x1] =	stream.indirect_vreg.gather [hbm4b:s7+s3], $0x80, v18, vm0, $0xb8;
	[tilespmem:$0x17D00] =	vst v63  }
0xa3: {  	s10 =	simm.s32 $0x1980;
	v61 =	vperm.xlane v17, v6;
	v18 =	vadd.s32 v3, v60  }
0xa4: {  	[tilespmem:s10], [sflag:$0x1] =	stream.indirect_vreg.gather [hbm4b:s7+s3], $0x80, v19, vm0, $0xb8;
	[tilespmem:$0x17D00] =	vst v63  }
0xa5: {  	s14 =	simm.s32 $0x1A00;
	v62 =	vperm.xlane v17, v7;
	v19 =	vadd.s32 v3, v61  }
0xa6: {  	[tilespmem:s14], [sflag:$0x1] =	stream.indirect_vreg.gather [hbm4b:s7+s3], $0x80, v20, vm0, $0xb8;
	[tilespmem:$0x17D00] =	vst v63  }
0xa7: {  	s2 =	simm.s32 $0x1A80;
	v24 =	vperm.xlane v17, v8;
	v63 =	vadd.s32 v3, v62  }
0xa8: {  	[tilespmem:s2], [sflag:$0x1] =	stream.indirect_vreg.gather [hbm4b:s7+s3], $0x80, v18, vm0, $0xb8;
	[tilespmem:$0x17D00] =	vst v63  }
0xa9: {  	v25 =	vperm.xlane v17, v0;
	s4 =	simm.s32 $0x1B00;
	v18 =	vadd.s32 v3, v24  }
0xaa: {  	[tilespmem:s4], [sflag:$0x1] =	stream.indirect_vreg.gather [hbm4b:s7+s3], $0x80, v19, vm0, $0xb8;
	[tilespmem:$0x17D00] =	vst v63  }
0xab: {  	v26 =	vperm.xlane v17, v9;
	s10 =	simm.s32 $0x1B80;
	v19 =	vadd.s32 v3, v25  }
0xac: {  	[tilespmem:s10], [sflag:$0x1] =	stream.indirect_vreg.gather [hbm4b:s7+s3], $0x80, v63, vm0, $0xb8;
	[tilespmem:$0x17D00] =	vst v63  }
0xad: {  	v28 =	vperm.xlane v17, v10;
	v27 =	vadd.s32 v3, v26;
	s14 =	simm.s32 $0x1C00  }
0xae: {  	[tilespmem:s14], [sflag:$0x1] =	stream.indirect_vreg.gather [hbm4b:s7+s3], $0x80, v18, vm0, $0xb8;
	[tilespmem:$0x17D00] =	vst v63  }
0xaf: {  	v29 =	vperm.xlane v17, v11;
	s2 =	simm.s32 $0x1C80;
	v18 =	vadd.s32 v3, v28  }
0xb0: {  	[tilespmem:s2], [sflag:$0x1] =	stream.indirect_vreg.gather [hbm4b:s7+s3], $0x80, v19, vm0, $0xb8;
	[tilespmem:$0x17D00] =	vst v63  }
0xb1: {  	v30 =	vperm.xlane v17, v12;
	s4 =	simm.s32 $0x1D00;
	v19 =	vadd.s32 v3, v29  }
0xb2: {  	[tilespmem:s4], [sflag:$0x1] =	stream.indirect_vreg.gather [hbm4b:s7+s3], $0x80, v27, vm0, $0xb8;
	[tilespmem:$0x17D00] =	vst v63  }
0xb3: {  	v32 =	vperm.xlane v17, v13;
	v31 =	vadd.s32 v3, v30;
	s10 =	simm.s32 $0x1D80  }
0xb4: {  	[tilespmem:s10], [sflag:$0x1] =	stream.indirect_vreg.gather [hbm4b:s7+s3], $0x80, v18, vm0, $0xb8;
	[tilespmem:$0x17D00] =	vst v63  }
0xb5: {  	v33 =	vperm.xlane v17, v14;
	s14 =	simm.s32 $0x1E00;
	v18 =	vadd.s32 v3, v32  }
0xb6: {  	[tilespmem:s14], [sflag:$0x1] =	stream.indirect_vreg.gather [hbm4b:s7+s3], $0x80, v19, vm0, $0xb8;
	[tilespmem:$0x17D00] =	vst v63  }
0xb7: {  	v34 =	vperm.xlane v17, v15;
	s2 =	simm.s32 $0x1E80;
	v19 =	vadd.s32 v3, v33  }
0xb8: {  	[tilespmem:s2], [sflag:$0x1] =	stream.indirect_vreg.gather [hbm4b:s7+s3], $0x80, v31, vm0, $0xb8;
	[tilespmem:$0x17D00] =	vst v63  }
0xb9: {  	v17 =	vperm.xlane v17, v16;
	v35 =	vadd.s32 v3, v34;
	s4 =	simm.s32 $0x1F00  }
0xba: {  	[tilespmem:s4], [sflag:$0x1] =	stream.indirect_vreg.gather [hbm4b:s7+s3], $0x80, v18, vm0, $0xb8;
	[tilespmem:$0x17D00] =	vst v63  }
0xbb: {  	v17 =	vadd.s32 v3, v17;
	s10 =	simm.s32 $0x1F80  }
0xbc: {  	[tilespmem:s10], [sflag:$0x1] =	stream.indirect_vreg.gather [hbm4b:s7+s3], $0x80, v19, vm0, $0xb8;
	[tilespmem:$0x17D00] =	vst v63  }
0xbd: {  	s14 =	simm.s32 $0x2000  }
0xbe: {  	[tilespmem:s14], [sflag:$0x1] =	stream.indirect_vreg.gather [hbm4b:s7+s3], $0x80, v35, vm0, $0xb8;
	[tilespmem:$0x17D00] =	vst v63  }
0xbf: {  	s2 =	simm.s32 $0x2080  }
0xc0: {  	[tilespmem:s2], [sflag:$0x1] =	stream.indirect_vreg.gather [hbm4b:s7+s3], $0x80, v17, vm0, $0xb8;
	[tilespmem:$0x17D00] =	vst v63  }
0xc1: {  	v17 =	vld [tilespmem:$0x40];
	_ =	sdelay $0x4  }
0xc2: {  	v18 =	vshll.u32 v17, $0x1  }
0xc3: {  	v17 =	vand.u32 $0x7, v17;
	v18 =	vand.u32 $0xFFFFFFF0, v18  }
0xc4: {  	v17 =	vor.u32 v17, v18  }
0xc5: {  	v18 =	vperm.xlane v17, v2;
	_ =	sdelay $0x1  }
0xc6: {  	v19 =	vperm.xlane v17, v1;
	v18 =	vadd.s32 v3, v18;
	_ =	sdelay $0x1  }
0xc7: {  	v36 =	vperm.xlane v17, v4;
	v19 =	vadd.s32 v3, v19;
	_ =	sdelay $0x1  }
0xc8: {  	s4 =	simm.s32 $0x2100;
	v37 =	vperm.xlane v17, v5;
	v20 =	vadd.s32 v3, v36  }
0xc9: {  	[tilespmem:s4], [sflag:$0x1] =	stream.indirect_vreg.gather [hbm4b:s7+s3], $0x80, v18, vm0, $0xb8;
	[tilespmem:$0x17D00] =	vst v63  }
0xca: {  	s10 =	simm.s32 $0x2180;
	v38 =	vperm.xlane v17, v6;
	v18 =	vadd.s32 v3, v37  }
0xcb: {  	[tilespmem:s10], [sflag:$0x1] =	stream.indirect_vreg.gather [hbm4b:s7+s3], $0x80, v19, vm0, $0xb8;
	[tilespmem:$0x17D00] =	vst v63  }
0xcc: {  	s14 =	simm.s32 $0x2200;
	v39 =	vperm.xlane v17, v7;
	v19 =	vadd.s32 v3, v38  }
0xcd: {  	[tilespmem:s14], [sflag:$0x1] =	stream.indirect_vreg.gather [hbm4b:s7+s3], $0x80, v20, vm0, $0xb8;
	[tilespmem:$0x17D00] =	vst v63  }
0xce: {  	s2 =	simm.s32 $0x2280;
	v41 =	vperm.xlane v17, v8;
	v40 =	vadd.s32 v3, v39  }
0xcf: {  	[tilespmem:s2], [sflag:$0x1] =	stream.indirect_vreg.gather [hbm4b:s7+s3], $0x80, v18, vm0, $0xb8;
	[tilespmem:$0x17D00] =	vst v63  }
0xd0: {  	v42 =	vperm.xlane v17, v0;
	s4 =	simm.s32 $0x2300;
	v18 =	vadd.s32 v3, v41  }
0xd1: {  	[tilespmem:s4], [sflag:$0x1] =	stream.indirect_vreg.gather [hbm4b:s7+s3], $0x80, v19, vm0, $0xb8;
	[tilespmem:$0x17D00] =	vst v63  }
0xd2: {  	v43 =	vperm.xlane v17, v9;
	s10 =	simm.s32 $0x2380;
	v19 =	vadd.s32 v3, v42  }
0xd3: {  	[tilespmem:s10], [sflag:$0x1] =	stream.indirect_vreg.gather [hbm4b:s7+s3], $0x80, v40, vm0, $0xb8;
	[tilespmem:$0x17D00] =	vst v63  }
0xd4: {  	v45 =	vperm.xlane v17, v10;
	v44 =	vadd.s32 v3, v43;
	s14 =	simm.s32 $0x2400  }
0xd5: {  	[tilespmem:s14], [sflag:$0x1] =	stream.indirect_vreg.gather [hbm4b:s7+s3], $0x80, v18, vm0, $0xb8;
	[tilespmem:$0x17D00] =	vst v63  }
0xd6: {  	v46 =	vperm.xlane v17, v11;
	s2 =	simm.s32 $0x2480;
	v18 =	vadd.s32 v3, v45  }
0xd7: {  	[tilespmem:s2], [sflag:$0x1] =	stream.indirect_vreg.gather [hbm4b:s7+s3], $0x80, v19, vm0, $0xb8;
	[tilespmem:$0x17D00] =	vst v63  }
0xd8: {  	v47 =	vperm.xlane v17, v12;
	s4 =	simm.s32 $0x2500;
	v19 =	vadd.s32 v3, v46  }
0xd9: {  	[tilespmem:s4], [sflag:$0x1] =	stream.indirect_vreg.gather [hbm4b:s7+s3], $0x80, v44, vm0, $0xb8;
	[tilespmem:$0x17D00] =	vst v63  }
0xda: {  	v49 =	vperm.xlane v17, v13;
	v48 =	vadd.s32 v3, v47;
	s10 =	simm.s32 $0x2580  }
0xdb: {  	[tilespmem:s10], [sflag:$0x1] =	stream.indirect_vreg.gather [hbm4b:s7+s3], $0x80, v18, vm0, $0xb8;
	[tilespmem:$0x17D00] =	vst v63  }
0xdc: {  	v50 =	vperm.xlane v17, v14;
	s14 =	simm.s32 $0x2600;
	v18 =	vadd.s32 v3, v49  }
0xdd: {  	[tilespmem:s14], [sflag:$0x1] =	stream.indirect_vreg.gather [hbm4b:s7+s3], $0x80, v19, vm0, $0xb8;
	[tilespmem:$0x17D00] =	vst v63  }
0xde: {  	v51 =	vperm.xlane v17, v15;
	s2 =	simm.s32 $0x2680;
	v19 =	vadd.s32 v3, v50  }
0xdf: {  	[tilespmem:s2], [sflag:$0x1] =	stream.indirect_vreg.gather [hbm4b:s7+s3], $0x80, v48, vm0, $0xb8;
	[tilespmem:$0x17D00] =	vst v63  }
0xe0: {  	v17 =	vperm.xlane v17, v16;
	v52 =	vadd.s32 v3, v51;
	s4 =	simm.s32 $0x2700  }
0xe1: {  	[tilespmem:s4], [sflag:$0x1] =	stream.indirect_vreg.gather [hbm4b:s7+s3], $0x80, v18, vm0, $0xb8;
	[tilespmem:$0x17D00] =	vst v63  }
0xe2: {  	v17 =	vadd.s32 v3, v17;
	s10 =	simm.s32 $0x2780  }
0xe3: {  	[tilespmem:s10], [sflag:$0x1] =	stream.indirect_vreg.gather [hbm4b:s7+s3], $0x80, v19, vm0, $0xb8;
	[tilespmem:$0x17D00] =	vst v63  }
0xe4: {  	s14 =	simm.s32 $0x2800  }
0xe5: {  	[tilespmem:s14], [sflag:$0x1] =	stream.indirect_vreg.gather [hbm4b:s7+s3], $0x80, v52, vm0, $0xb8;
	[tilespmem:$0x17D00] =	vst v63  }
0xe6: {  	s2 =	simm.s32 $0x2880  }
0xe7: {  	[tilespmem:s2], [sflag:$0x1] =	stream.indirect_vreg.gather [hbm4b:s7+s3], $0x80, v17, vm0, $0xb8;
	[tilespmem:$0x17D00] =	vst v63  }
0xe8: {  	v17 =	vld [tilespmem:$0x50];
	_ =	sdelay $0x4  }
0xe9: {  	v18 =	vshll.u32 v17, $0x1  }
0xea: {  	v17 =	vand.u32 $0x7, v17;
	v18 =	vand.u32 $0xFFFFFFF0, v18  }
0xeb: {  	v17 =	vor.u32 v17, v18  }
0xec: {  	v18 =	vperm.xlane v17, v2;
	_ =	sdelay $0x1  }
0xed: {  	v19 =	vperm.xlane v17, v1;
	v18 =	vadd.s32 v3, v18;
	_ =	sdelay $0x1  }
0xee: {  	v53 =	vperm.xlane v17, v4;
	v19 =	vadd.s32 v3, v19;
	_ =	sdelay $0x1  }
0xef: {  	s4 =	simm.s32 $0x2900;
	v54 =	vperm.xlane v17, v5;
	v20 =	vadd.s32 v3, v53  }
0xf0: {  	[tilespmem:s4], [sflag:$0x1] =	stream.indirect_vreg.gather [hbm4b:s7+s3], $0x80, v18, vm0, $0xb8;
	[tilespmem:$0x17D00] =	vst v63  }
0xf1: {  	s10 =	simm.s32 $0x2980;
	v55 =	vperm.xlane v17, v6;
	v18 =	vadd.s32 v3, v54  }
0xf2: {  	[tilespmem:s10], [sflag:$0x1] =	stream.indirect_vreg.gather [hbm4b:s7+s3], $0x80, v19, vm0, $0xb8;
	[tilespmem:$0x17D00] =	vst v63  }
0xf3: {  	s14 =	simm.s32 $0x2A00;
	v56 =	vperm.xlane v17, v7;
	v19 =	vadd.s32 v3, v55  }
0xf4: {  	[tilespmem:s14], [sflag:$0x1] =	stream.indirect_vreg.gather [hbm4b:s7+s3], $0x80, v20, vm0, $0xb8;
	[tilespmem:$0x17D00] =	vst v63  }
0xf5: {  	s2 =	simm.s32 $0x2A80;
	v58 =	vperm.xlane v17, v8;
	v57 =	vadd.s32 v3, v56  }
0xf6: {  	[tilespmem:s2], [sflag:$0x1] =	stream.indirect_vreg.gather [hbm4b:s7+s3], $0x80, v18, vm0, $0xb8;
	[tilespmem:$0x17D00] =	vst v63  }
0xf7: {  	v59 =	vperm.xlane v17, v0;
	s4 =	simm.s32 $0x2B00;
	v18 =	vadd.s32 v3, v58  }
0xf8: {  	[tilespmem:s4], [sflag:$0x1] =	stream.indirect_vreg.gather [hbm4b:s7+s3], $0x80, v19, vm0, $0xb8;
	[tilespmem:$0x17D00] =	vst v63  }
0xf9: {  	v60 =	vperm.xlane v17, v9;
	s10 =	simm.s32 $0x2B80;
	v19 =	vadd.s32 v3, v59  }
0xfa: {  	[tilespmem:s10], [sflag:$0x1] =	stream.indirect_vreg.gather [hbm4b:s7+s3], $0x80, v57, vm0, $0xb8;
	[tilespmem:$0x17D00] =	vst v63  }
0xfb: {  	v62 =	vperm.xlane v17, v10;
	v61 =	vadd.s32 v3, v60;
	s14 =	simm.s32 $0x2C00  }
0xfc: {  	[tilespmem:s14], [sflag:$0x1] =	stream.indirect_vreg.gather [hbm4b:s7+s3], $0x80, v18, vm0, $0xb8;
	[tilespmem:$0x17D00] =	vst v63  }
0xfd: {  	v63 =	vperm.xlane v17, v11;
	s2 =	simm.s32 $0x2C80;
	v18 =	vadd.s32 v3, v62  }
0xfe: {  	[tilespmem:s2], [sflag:$0x1] =	stream.indirect_vreg.gather [hbm4b:s7+s3], $0x80, v19, vm0, $0xb8;
	[tilespmem:$0x17D00] =	vst v63  }
0xff: {  	v24 =	vperm.xlane v17, v12;
	s4 =	simm.s32 $0x2D00;
	v19 =	vadd.s32 v3, v63  }
0x100: {  	[tilespmem:s4], [sflag:$0x1] =	stream.indirect_vreg.gather [hbm4b:s7+s3], $0x80, v61, vm0, $0xb8;
	[tilespmem:$0x17D00] =	vst v63  }
0x101: {  	v26 =	vperm.xlane v17, v13;
	v25 =	vadd.s32 v3, v24;
	s10 =	simm.s32 $0x2D80  }
0x102: {  	[tilespmem:s10], [sflag:$0x1] =	stream.indirect_vreg.gather [hbm4b:s7+s3], $0x80, v18, vm0, $0xb8;
	[tilespmem:$0x17D00] =	vst v63  }
0x103: {  	v27 =	vperm.xlane v17, v14;
	s14 =	simm.s32 $0x2E00;
	v18 =	vadd.s32 v3, v26  }
0x104: {  	[tilespmem:s14], [sflag:$0x1] =	stream.indirect_vreg.gather [hbm4b:s7+s3], $0x80, v19, vm0, $0xb8;
	[tilespmem:$0x17D00] =	vst v63  }
0x105: {  	v28 =	vperm.xlane v17, v15;
	s2 =	simm.s32 $0x2E80;
	v19 =	vadd.s32 v3, v27  }
0x106: {  	[tilespmem:s2], [sflag:$0x1] =	stream.indirect_vreg.gather [hbm4b:s7+s3], $0x80, v25, vm0, $0xb8;
	[tilespmem:$0x17D00] =	vst v63  }
0x107: {  	v17 =	vperm.xlane v17, v16;
	v29 =	vadd.s32 v3, v28;
	s4 =	simm.s32 $0x2F00  }
0x108: {  	[tilespmem:s4], [sflag:$0x1] =	stream.indirect_vreg.gather [hbm4b:s7+s3], $0x80, v18, vm0, $0xb8;
	[tilespmem:$0x17D00] =	vst v63  }
0x109: {  	v17 =	vadd.s32 v3, v17;
	s10 =	simm.s32 $0x2F80  }
0x10a: {  	[tilespmem:s10], [sflag:$0x1] =	stream.indirect_vreg.gather [hbm4b:s7+s3], $0x80, v19, vm0, $0xb8;
	[tilespmem:$0x17D00] =	vst v63  }
0x10b: {  	s14 =	simm.s32 $0x3000  }
0x10c: {  	[tilespmem:s14], [sflag:$0x1] =	stream.indirect_vreg.gather [hbm4b:s7+s3], $0x80, v29, vm0, $0xb8;
	[tilespmem:$0x17D00] =	vst v63  }
0x10d: {  	s2 =	simm.s32 $0x3080  }
0x10e: {  	[tilespmem:s2], [sflag:$0x1] =	stream.indirect_vreg.gather [hbm4b:s7+s3], $0x80, v17, vm0, $0xb8;
	[tilespmem:$0x17D00] =	vst v63  }
0x10f: {  	v17 =	vld [tilespmem:$0x60];
	_ =	sdelay $0x4  }
0x110: {  	v18 =	vshll.u32 v17, $0x1  }
0x111: {  	v17 =	vand.u32 $0x7, v17;
	v18 =	vand.u32 $0xFFFFFFF0, v18  }
0x112: {  	v17 =	vor.u32 v17, v18  }
0x113: {  	v18 =	vperm.xlane v17, v2;
	_ =	sdelay $0x1  }
0x114: {  	v19 =	vperm.xlane v17, v1;
	v18 =	vadd.s32 v3, v18;
	_ =	sdelay $0x1  }
0x115: {  	v30 =	vperm.xlane v17, v4;
	v19 =	vadd.s32 v3, v19;
	_ =	sdelay $0x1  }
0x116: {  	s4 =	simm.s32 $0x3100;
	v31 =	vperm.xlane v17, v5;
	v20 =	vadd.s32 v3, v30  }
0x117: {  	[tilespmem:s4], [sflag:$0x1] =	stream.indirect_vreg.gather [hbm4b:s7+s3], $0x80, v18, vm0, $0xb8;
	[tilespmem:$0x17D00] =	vst v63  }
0x118: {  	s10 =	simm.s32 $0x3180;
	v32 =	vperm.xlane v17, v6;
	v18 =	vadd.s32 v3, v31  }
0x119: {  	[tilespmem:s10], [sflag:$0x1] =	stream.indirect_vreg.gather [hbm4b:s7+s3], $0x80, v19, vm0, $0xb8;
	[tilespmem:$0x17D00] =	vst v63  }
0x11a: {  	s14 =	simm.s32 $0x3200;
	v33 =	vperm.xlane v17, v7;
	v19 =	vadd.s32 v3, v32  }
0x11b: {  	[tilespmem:s14], [sflag:$0x1] =	stream.indirect_vreg.gather [hbm4b:s7+s3], $0x80, v20, vm0, $0xb8;
	[tilespmem:$0x17D00] =	vst v63  }
0x11c: {  	s2 =	simm.s32 $0x3280;
	v35 =	vperm.xlane v17, v8;
	v34 =	vadd.s32 v3, v33  }
0x11d: {  	[tilespmem:s2], [sflag:$0x1] =	stream.indirect_vreg.gather [hbm4b:s7+s3], $0x80, v18, vm0, $0xb8;
	[tilespmem:$0x17D00] =	vst v63  }
0x11e: {  	v36 =	vperm.xlane v17, v0;
	s4 =	simm.s32 $0x3300;
	v18 =	vadd.s32 v3, v35  }
0x11f: {  	[tilespmem:s4], [sflag:$0x1] =	stream.indirect_vreg.gather [hbm4b:s7+s3], $0x80, v19, vm0, $0xb8;
	[tilespmem:$0x17D00] =	vst v63  }
0x120: {  	v37 =	vperm.xlane v17, v9;
	s10 =	simm.s32 $0x3380;
	v19 =	vadd.s32 v3, v36  }
0x121: {  	[tilespmem:s10], [sflag:$0x1] =	stream.indirect_vreg.gather [hbm4b:s7+s3], $0x80, v34, vm0, $0xb8;
	[tilespmem:$0x17D00] =	vst v63  }
0x122: {  	v39 =	vperm.xlane v17, v10;
	v38 =	vadd.s32 v3, v37;
	s14 =	simm.s32 $0x3400  }
0x123: {  	[tilespmem:s14], [sflag:$0x1] =	stream.indirect_vreg.gather [hbm4b:s7+s3], $0x80, v18, vm0, $0xb8;
	[tilespmem:$0x17D00] =	vst v63  }
0x124: {  	v40 =	vperm.xlane v17, v11;
	s2 =	simm.s32 $0x3480;
	v18 =	vadd.s32 v3, v39  }
0x125: {  	[tilespmem:s2], [sflag:$0x1] =	stream.indirect_vreg.gather [hbm4b:s7+s3], $0x80, v19, vm0, $0xb8;
	[tilespmem:$0x17D00] =	vst v63  }
0x126: {  	v41 =	vperm.xlane v17, v12;
	s4 =	simm.s32 $0x3500;
	v19 =	vadd.s32 v3, v40  }
0x127: {  	[tilespmem:s4], [sflag:$0x1] =	stream.indirect_vreg.gather [hbm4b:s7+s3], $0x80, v38, vm0, $0xb8;
	[tilespmem:$0x17D00] =	vst v63  }
0x128: {  	v43 =	vperm.xlane v17, v13;
	v42 =	vadd.s32 v3, v41;
	s10 =	simm.s32 $0x3580  }
0x129: {  	[tilespmem:s10], [sflag:$0x1] =	stream.indirect_vreg.gather [hbm4b:s7+s3], $0x80, v18, vm0, $0xb8;
	[tilespmem:$0x17D00] =	vst v63  }
0x12a: {  	v44 =	vperm.xlane v17, v14;
	s14 =	simm.s32 $0x3600;
	v18 =	vadd.s32 v3, v43  }
0x12b: {  	[tilespmem:s14], [sflag:$0x1] =	stream.indirect_vreg.gather [hbm4b:s7+s3], $0x80, v19, vm0, $0xb8;
	[tilespmem:$0x17D00] =	vst v63  }
0x12c: {  	v45 =	vperm.xlane v17, v15;
	s2 =	simm.s32 $0x3680;
	v19 =	vadd.s32 v3, v44  }
0x12d: {  	[tilespmem:s2], [sflag:$0x1] =	stream.indirect_vreg.gather [hbm4b:s7+s3], $0x80, v42, vm0, $0xb8;
	[tilespmem:$0x17D00] =	vst v63  }
0x12e: {  	v17 =	vperm.xlane v17, v16;
	v46 =	vadd.s32 v3, v45;
	s4 =	simm.s32 $0x3700  }
0x12f: {  	[tilespmem:s4], [sflag:$0x1] =	stream.indirect_vreg.gather [hbm4b:s7+s3], $0x80, v18, vm0, $0xb8;
	[tilespmem:$0x17D00] =	vst v63  }
0x130: {  	v17 =	vadd.s32 v3, v17  }
0x131: {  	[tilespmem:s5], [sflag:$0x1] =	stream.indirect_vreg.gather [hbm4b:s7+s3], $0x80, v19, vm0, $0xb8;
	[tilespmem:$0x17D00] =	vst v63  }
0x132: {  	_ = 	snop  }
0x133: {  	[tilespmem:s6], [sflag:$0x1] =	stream.indirect_vreg.gather [hbm4b:s7+s3], $0x80, v46, vm0, $0xb8;
	[tilespmem:$0x17D00] =	vst v63  }
0x134: {  	_ = 	snop  }
0x135: {  	[tilespmem:s8], [sflag:$0x1] =	stream.indirect_vreg.gather [hbm4b:s7+s3], $0x80, v17, vm0, $0xb8;
	[tilespmem:$0x17D00] =	vst v63  }
0x136: {  	v17 =	vld [tilespmem:$0x70];
	_ =	sdelay $0x4  }
0x137: {  	v18 =	vshll.u32 v17, $0x1  }
0x138: {  	v17 =	vand.u32 $0x7, v17;
	v18 =	vand.u32 $0xFFFFFFF0, v18  }
0x139: {  	v17 =	vor.u32 v17, v18  }
0x13a: {  	v18 =	vperm.xlane v17, v2;
	_ =	sdelay $0x1  }
0x13b: {  	v19 =	vperm.xlane v17, v1;
	v18 =	vadd.s32 v3, v18;
	_ =	sdelay $0x1  }
0x13c: {  	v47 =	vperm.xlane v17, v4;
	v19 =	vadd.s32 v3, v19;
	_ =	sdelay $0x1  }
0x13d: {  	v48 =	vperm.xlane v17, v5;
	v20 =	vadd.s32 v3, v47  }
0x13e: {  	[tilespmem:s15], [sflag:$0x1] =	stream.indirect_vreg.gather [hbm4b:s7+s3], $0x80, v18, vm0, $0xb8;
	[tilespmem:$0x17D00] =	vst v63  }
0x13f: {  	v49 =	vperm.xlane v17, v6;
	v18 =	vadd.s32 v3, v48  }
0x140: {  	[tilespmem:s16], [sflag:$0x1] =	stream.indirect_vreg.gather [hbm4b:s7+s3], $0x80, v19, vm0, $0xb8;
	[tilespmem:$0x17D00] =	vst v63  }
0x141: {  	v50 =	vperm.xlane v17, v7;
	v19 =	vadd.s32 v3, v49  }
0x142: {  	[tilespmem:s17], [sflag:$0x1] =	stream.indirect_vreg.gather [hbm4b:s7+s3], $0x80, v20, vm0, $0xb8;
	[tilespmem:$0x17D00] =	vst v63  }
0x143: {  	v52 =	vperm.xlane v17, v8;
	v51 =	vadd.s32 v3, v50  }
0x144: {  	[tilespmem:s18], [sflag:$0x1] =	stream.indirect_vreg.gather [hbm4b:s7+s3], $0x80, v18, vm0, $0xb8;
	[tilespmem:$0x17D00] =	vst v63  }
0x145: {  	v53 =	vperm.xlane v17, v0;
	v18 =	vadd.s32 v3, v52  }
0x146: {  	[tilespmem:s19], [sflag:$0x1] =	stream.indirect_vreg.gather [hbm4b:s7+s3], $0x80, v19, vm0, $0xb8;
	[tilespmem:$0x17D00] =	vst v63  }
0x147: {  	v54 =	vperm.xlane v17, v9;
	v19 =	vadd.s32 v3, v53  }
0x148: {  	[tilespmem:s20], [sflag:$0x1] =	stream.indirect_vreg.gather [hbm4b:s7+s3], $0x80, v51, vm0, $0xb8;
	[tilespmem:$0x17D00] =	vst v63  }
0x149: {  	v56 =	vperm.xlane v17, v10;
	v55 =	vadd.s32 v3, v54  }
0x14a: {  	[tilespmem:s21], [sflag:$0x1] =	stream.indirect_vreg.gather [hbm4b:s7+s3], $0x80, v18, vm0, $0xb8;
	[tilespmem:$0x17D00] =	vst v63  }
0x14b: {  	v57 =	vperm.xlane v17, v11;
	v18 =	vadd.s32 v3, v56  }
0x14c: {  	[tilespmem:s22], [sflag:$0x1] =	stream.indirect_vreg.gather [hbm4b:s7+s3], $0x80, v19, vm0, $0xb8;
	[tilespmem:$0x17D00] =	vst v63  }
0x14d: {  	v58 =	vperm.xlane v17, v12;
	v19 =	vadd.s32 v3, v57  }
0x14e: {  	[tilespmem:s23], [sflag:$0x1] =	stream.indirect_vreg.gather [hbm4b:s7+s3], $0x80, v55, vm0, $0xb8;
	[tilespmem:$0x17D00] =	vst v63  }
0x14f: {  	v60 =	vperm.xlane v17, v13;
	v59 =	vadd.s32 v3, v58  }
0x150: {  	[tilespmem:s24], [sflag:$0x1] =	stream.indirect_vreg.gather [hbm4b:s7+s3], $0x80, v18, vm0, $0xb8;
	[tilespmem:$0x17D00] =	vst v63  }
0x151: {  	s0 =	stileid.u32;
	v61 =	vperm.xlane v17, v14;
	v18 =	vadd.s32 v3, v60  }
0x152: {  	[tilespmem:s25], [sflag:$0x1] =	stream.indirect_vreg.gather [hbm4b:s7+s3], $0x80, v19, vm0, $0xb8;
	[tilespmem:$0x17D00] =	vst v63  }
0x153: {  	s10 =	sshll.u32 s0, $0x6;
	v62 =	vperm.xlane v17, v15;
	v19 =	vadd.s32 v3, v61  }
0x154: {  	[tilespmem:s26], [sflag:$0x1] =	stream.indirect_vreg.gather [hbm4b:s7+s3], $0x80, v59, vm0, $0xb8;
	[tilespmem:$0x17D00] =	vst v63  }
0x155: {  	s0 =	sor.u32 $0x1C02, s10;
	s10 =	rddreg [dreg:$0x7];
	v17 =	vperm.xlane v17, v16;
	v63 =	vadd.s32 v3, v62  }
0x156: {  	[tilespmem:s28], [sflag:$0x1] =	stream.indirect_vreg.gather [hbm4b:s7+s3], $0x80, v18, vm0, $0xb8;
	[tilespmem:$0x17D00] =	vst v63  }
0x157: {  	s14 =	rddreg [dreg:$0xa];
	v17 =	vadd.s32 v3, v17  }
0x158: {  	[tilespmem:s29], [sflag:$0x1] =	stream.indirect_vreg.gather [hbm4b:s7+s3], $0x80, v19, vm0, $0xb8;
	[tilespmem:$0x17D00] =	vst v63  }
0x159: {  	[dreg:$0xe] =	wrdreg s0;
	s14 =	sshrl.u32 s14, $0x3  }
0x15a: {  	[tilespmem:s30], [sflag:$0x1] =	stream.indirect_vreg.gather [hbm4b:s7+s3], $0x80, v63, vm0, $0xb8;
	[tilespmem:$0x17D00] =	vst v63  }
0x15b: {  	[dreg:$0xf] =	wrdreg s14  }
0x15c: {  	[tilespmem:s12], [sflag:$0x1] =	stream.indirect_vreg.gather [hbm4b:s7+s3], $0x80, v17, vm0, $0xb8;
	[tilespmem:$0x17D00] =	vst v63  }
0x15d: {  	[spmem:s14], [sflag:s0] =	dma.local [hbm:s10], $0x2780  }
0x15e: {  	_ =	swait.ge [sflag:s11], $0x2780  }
0x15f: {  	[sflag:s11] =	ssyncset.done $0x0  }
0x160: {  	[sflag:s11] =	ssyncadd.s32 $0xFFFFD880  }
0x161: {  	[bflag:$0x0] =	sbarrier.arrive $0xFFFF  }
0x162: {  	_ =	swait.ge [sflag:s9], $0x4000  }
0x163: {  	[sflag:s9] =	ssyncset.done $0x0  }
0x164: {  	[sflag:s9] =	ssyncadd.s32 $0xFFFFC000  }
0x165: {  	[spmem:s1] =	stream.indirect.scatter.add.f32 [tilespmem:s31], [sflag:$0x2], $0x80, s13, s13, $0xb8;
	[tilespmem:$0x17D00] =	vst v63  }
0x166: {  	_ =	swait.ge [sflag:s11], $0x4000  }
0x167: {  	[sflag:s11] =	ssyncset.done $0x0  }
0x168: {  	s10 =	simm.s32 $0x10;
	[sflag:s11] =	ssyncadd.s32 $0xFFFFC000  }
.LBB2_2:
0x169: {  	s0 =	rddreg [dreg:$0x6]  }
0x16a: {  	s14 =	smov.u32 s1;
	s1 =	sadd.s32 s10, s0  }
0x16b: {  	[tilespmem:s3], [sflag:$0x2] =	stream.linear.gather [hbm4b:s1+s3], $0x80, $0x38;
	[tilespmem:$0x17D00] =	vst v63  }
0x16c: {  	_ =	swait.ge [sflag:s11], $0x80  }
0x16d: {  	s0 =	rddreg [dreg:$0x5];
	[sflag:s11] =	ssyncset.done $0x0  }
0x16e: {  	[sflag:s11] =	ssyncadd.s32 $0xFFFFFF80;
	s1 =	sadd.s32 s10, s0  }
0x16f: {  	[tilespmem:s13], [sflag:$0x2] =	stream.linear.gather [hbm4b:s1+s3], $0x80, $0x38;
	[tilespmem:$0x17D00] =	vst v63  }
0x170: {  	_ =	swait.ge [sflag:s11], $0x80  }
0x171: {  	[sflag:s11] =	ssyncset.done $0x0  }
0x172: {  	[sflag:s11] =	ssyncadd.s32 $0xFFFFFF80  }
0x173: {  	v17 =	vld [tilespmem:$0x0];
	_ =	sdelay $0x4  }
0x174: {  	v18 =	vshll.u32 v17, $0x1  }
0x175: {  	v17 =	vand.u32 $0x7, v17;
	v18 =	vand.u32 $0xFFFFFFF0, v18  }
0x176: {  	v17 =	vor.u32 v17, v18  }
0x177: {  	v18 =	vperm.xlane v17, v2;
	_ =	sdelay $0x1  }
0x178: {  	v19 =	vperm.xlane v17, v1;
	v18 =	vadd.s32 v3, v18;
	_ =	sdelay $0x1  }
0x179: {  	v20 =	vperm.xlane v17, v4;
	v19 =	vadd.s32 v3, v19;
	_ =	sdelay $0x1  }
0x17a: {  	v21 =	vperm.xlane v17, v5;
	v20 =	vadd.s32 v3, v20  }
0x17b: {  	[tilespmem:s31], [sflag:$0x1] =	stream.indirect_vreg.gather [hbm4b:s7+s3], $0x80, v18, vm0, $0xb8;
	[tilespmem:$0x17D00] =	vst v63  }
0x17c: {  	s1 =	smov.u32 s14;
	s14 =	simm.s32 $0x180;
	v50 =	vperm.xlane v17, v6;
	v18 =	vadd.s32 v3, v21  }
0x17d: {  	[tilespmem:s14], [sflag:$0x1] =	stream.indirect_vreg.gather [hbm4b:s7+s3], $0x80, v19, vm0, $0xb8;
	[tilespmem:$0x17D00] =	vst v63  }
0x17e: {  	s0 =	simm.s32 $0x200;
	v51 =	vperm.xlane v17, v7;
	v19 =	vadd.s32 v3, v50  }
0x17f: {  	[tilespmem:s0], [sflag:$0x1] =	stream.indirect_vreg.gather [hbm4b:s7+s3], $0x80, v20, vm0, $0xb8;
	[tilespmem:$0x17D00] =	vst v63  }
0x180: {  	v53 =	vperm.xlane v17, v8;
	v52 =	vadd.s32 v3, v51;
	s0 =	simm.s32 $0x280  }
0x181: {  	[tilespmem:s0], [sflag:$0x1] =	stream.indirect_vreg.gather [hbm4b:s7+s3], $0x80, v18, vm0, $0xb8;
	[tilespmem:$0x17D00] =	vst v63  }
0x182: {  	v54 =	vperm.xlane v17, v0;
	v18 =	vadd.s32 v3, v53;
	s0 =	simm.s32 $0x300  }
0x183: {  	[tilespmem:s0], [sflag:$0x1] =	stream.indirect_vreg.gather [hbm4b:s7+s3], $0x80, v19, vm0, $0xb8;
	[tilespmem:$0x17D00] =	vst v63  }
0x184: {  	v55 =	vperm.xlane v17, v9;
	v19 =	vadd.s32 v3, v54;
	s0 =	simm.s32 $0x380  }
0x185: {  	[tilespmem:s0], [sflag:$0x1] =	stream.indirect_vreg.gather [hbm4b:s7+s3], $0x80, v52, vm0, $0xb8;
	[tilespmem:$0x17D00] =	vst v63  }
0x186: {  	v57 =	vperm.xlane v17, v10;
	v56 =	vadd.s32 v3, v55;
	s0 =	simm.s32 $0x400  }
0x187: {  	[tilespmem:s0], [sflag:$0x1] =	stream.indirect_vreg.gather [hbm4b:s7+s3], $0x80, v18, vm0, $0xb8;
	[tilespmem:$0x17D00] =	vst v63  }
0x188: {  	v58 =	vperm.xlane v17, v11;
	v18 =	vadd.s32 v3, v57;
	s0 =	simm.s32 $0x480  }
0x189: {  	[tilespmem:s0], [sflag:$0x1] =	stream.indirect_vreg.gather [hbm4b:s7+s3], $0x80, v19, vm0, $0xb8;
	[tilespmem:$0x17D00] =	vst v63  }
0x18a: {  	v59 =	vperm.xlane v17, v12;
	v19 =	vadd.s32 v3, v58;
	s0 =	simm.s32 $0x500  }
0x18b: {  	[tilespmem:s0], [sflag:$0x1] =	stream.indirect_vreg.gather [hbm4b:s7+s3], $0x80, v56, vm0, $0xb8;
	[tilespmem:$0x17D00] =	vst v63  }
0x18c: {  	v61 =	vperm.xlane v17, v13;
	v60 =	vadd.s32 v3, v59;
	s0 =	simm.s32 $0x580  }
0x18d: {  	[tilespmem:s0], [sflag:$0x1] =	stream.indirect_vreg.gather [hbm4b:s7+s3], $0x80, v18, vm0, $0xb8;
	[tilespmem:$0x17D00] =	vst v63  }
0x18e: {  	v62 =	vperm.xlane v17, v14;
	v18 =	vadd.s32 v3, v61;
	s0 =	simm.s32 $0x600  }
0x18f: {  	[tilespmem:s0], [sflag:$0x1] =	stream.indirect_vreg.gather [hbm4b:s7+s3], $0x80, v19, vm0, $0xb8;
	[tilespmem:$0x17D00] =	vst v63  }
0x190: {  	v63 =	vperm.xlane v17, v15;
	v19 =	vadd.s32 v3, v62;
	s0 =	simm.s32 $0x680  }
0x191: {  	[tilespmem:s0], [sflag:$0x1] =	stream.indirect_vreg.gather [hbm4b:s7+s3], $0x80, v60, vm0, $0xb8;
	[tilespmem:$0x17D00] =	vst v63  }
0x192: {  	v17 =	vperm.xlane v17, v16;
	v24 =	vadd.s32 v3, v63;
	s0 =	simm.s32 $0x700  }
0x193: {  	[tilespmem:s0], [sflag:$0x1] =	stream.indirect_vreg.gather [hbm4b:s7+s3], $0x80, v18, vm0, $0xb8;
	[tilespmem:$0x17D00] =	vst v63  }
0x194: {  	v17 =	vadd.s32 v3, v17;
	s0 =	simm.s32 $0x780  }
0x195: {  	[tilespmem:s0], [sflag:$0x1] =	stream.indirect_vreg.gather [hbm4b:s7+s3], $0x80, v19, vm0, $0xb8;
	[tilespmem:$0x17D00] =	vst v63  }
0x196: {  	s0 =	simm.s32 $0x800  }
0x197: {  	[tilespmem:s0], [sflag:$0x1] =	stream.indirect_vreg.gather [hbm4b:s7+s3], $0x80, v24, vm0, $0xb8;
	[tilespmem:$0x17D00] =	vst v63  }
0x198: {  	s0 =	simm.s32 $0x880  }
0x199: {  	[tilespmem:s0], [sflag:$0x1] =	stream.indirect_vreg.gather [hbm4b:s7+s3], $0x80, v17, vm0, $0xb8;
	[tilespmem:$0x17D00] =	vst v63  }
0x19a: {  	v17 =	vld [tilespmem:$0x10];
	_ =	sdelay $0x4  }
0x19b: {  	v18 =	vshll.u32 v17, $0x1  }
0x19c: {  	v17 =	vand.u32 $0x7, v17;
	v18 =	vand.u32 $0xFFFFFFF0, v18  }
0x19d: {  	v17 =	vor.u32 v17, v18  }
0x19e: {  	v18 =	vperm.xlane v17, v2;
	_ =	sdelay $0x1  }
0x19f: {  	v19 =	vperm.xlane v17, v1;
	v18 =	vadd.s32 v3, v18;
	_ =	sdelay $0x1  }
0x1a0: {  	v25 =	vperm.xlane v17, v4;
	v19 =	vadd.s32 v3, v19;
	_ =	sdelay $0x1  }
0x1a1: {  	s0 =	simm.s32 $0x900;
	v26 =	vperm.xlane v17, v5;
	v20 =	vadd.s32 v3, v25  }
0x1a2: {  	[tilespmem:s0], [sflag:$0x1] =	stream.indirect_vreg.gather [hbm4b:s7+s3], $0x80, v18, vm0, $0xb8;
	[tilespmem:$0x17D00] =	vst v63  }
0x1a3: {  	v27 =	vperm.xlane v17, v6;
	v18 =	vadd.s32 v3, v26;
	s0 =	simm.s32 $0x980  }
0x1a4: {  	[tilespmem:s0], [sflag:$0x1] =	stream.indirect_vreg.gather [hbm4b:s7+s3], $0x80, v19, vm0, $0xb8;
	[tilespmem:$0x17D00] =	vst v63  }
0x1a5: {  	v28 =	vperm.xlane v17, v7;
	v19 =	vadd.s32 v3, v27;
	s0 =	simm.s32 $0xA00  }
0x1a6: {  	[tilespmem:s0], [sflag:$0x1] =	stream.indirect_vreg.gather [hbm4b:s7+s3], $0x80, v20, vm0, $0xb8;
	[tilespmem:$0x17D00] =	vst v63  }
0x1a7: {  	v30 =	vperm.xlane v17, v8;
	v29 =	vadd.s32 v3, v28;
	s0 =	simm.s32 $0xA80  }
0x1a8: {  	[tilespmem:s0], [sflag:$0x1] =	stream.indirect_vreg.gather [hbm4b:s7+s3], $0x80, v18, vm0, $0xb8;
	[tilespmem:$0x17D00] =	vst v63  }
0x1a9: {  	v31 =	vperm.xlane v17, v0;
	v18 =	vadd.s32 v3, v30;
	s0 =	simm.s32 $0xB00  }
0x1aa: {  	[tilespmem:s0], [sflag:$0x1] =	stream.indirect_vreg.gather [hbm4b:s7+s3], $0x80, v19, vm0, $0xb8;
	[tilespmem:$0x17D00] =	vst v63  }
0x1ab: {  	v32 =	vperm.xlane v17, v9;
	v19 =	vadd.s32 v3, v31;
	s0 =	simm.s32 $0xB80  }
0x1ac: {  	[tilespmem:s0], [sflag:$0x1] =	stream.indirect_vreg.gather [hbm4b:s7+s3], $0x80, v29, vm0, $0xb8;
	[tilespmem:$0x17D00] =	vst v63  }
0x1ad: {  	v34 =	vperm.xlane v17, v10;
	v33 =	vadd.s32 v3, v32;
	s0 =	simm.s32 $0xC00  }
0x1ae: {  	[tilespmem:s0], [sflag:$0x1] =	stream.indirect_vreg.gather [hbm4b:s7+s3], $0x80, v18, vm0, $0xb8;
	[tilespmem:$0x17D00] =	vst v63  }
0x1af: {  	v35 =	vperm.xlane v17, v11;
	v18 =	vadd.s32 v3, v34;
	s0 =	simm.s32 $0xC80  }
0x1b0: {  	[tilespmem:s0], [sflag:$0x1] =	stream.indirect_vreg.gather [hbm4b:s7+s3], $0x80, v19, vm0, $0xb8;
	[tilespmem:$0x17D00] =	vst v63  }
0x1b1: {  	v36 =	vperm.xlane v17, v12;
	v19 =	vadd.s32 v3, v35;
	s0 =	simm.s32 $0xD00  }
0x1b2: {  	[tilespmem:s0], [sflag:$0x1] =	stream.indirect_vreg.gather [hbm4b:s7+s3], $0x80, v33, vm0, $0xb8;
	[tilespmem:$0x17D00] =	vst v63  }
0x1b3: {  	v38 =	vperm.xlane v17, v13;
	v37 =	vadd.s32 v3, v36;
	s0 =	simm.s32 $0xD80  }
0x1b4: {  	[tilespmem:s0], [sflag:$0x1] =	stream.indirect_vreg.gather [hbm4b:s7+s3], $0x80, v18, vm0, $0xb8;
	[tilespmem:$0x17D00] =	vst v63  }
0x1b5: {  	v39 =	vperm.xlane v17, v14;
	v18 =	vadd.s32 v3, v38;
	s0 =	simm.s32 $0xE00  }
0x1b6: {  	[tilespmem:s0], [sflag:$0x1] =	stream.indirect_vreg.gather [hbm4b:s7+s3], $0x80, v19, vm0, $0xb8;
	[tilespmem:$0x17D00] =	vst v63  }
0x1b7: {  	v40 =	vperm.xlane v17, v15;
	v19 =	vadd.s32 v3, v39;
	s0 =	simm.s32 $0xE80  }
0x1b8: {  	[tilespmem:s0], [sflag:$0x1] =	stream.indirect_vreg.gather [hbm4b:s7+s3], $0x80, v37, vm0, $0xb8;
	[tilespmem:$0x17D00] =	vst v63  }
0x1b9: {  	v17 =	vperm.xlane v17, v16;
	v41 =	vadd.s32 v3, v40;
	s0 =	simm.s32 $0xF00  }
0x1ba: {  	[tilespmem:s0], [sflag:$0x1] =	stream.indirect_vreg.gather [hbm4b:s7+s3], $0x80, v18, vm0, $0xb8;
	[tilespmem:$0x17D00] =	vst v63  }
0x1bb: {  	v17 =	vadd.s32 v3, v17;
	s0 =	simm.s32 $0xF80  }
0x1bc: {  	[tilespmem:s0], [sflag:$0x1] =	stream.indirect_vreg.gather [hbm4b:s7+s3], $0x80, v19, vm0, $0xb8;
	[tilespmem:$0x17D00] =	vst v63  }
0x1bd: {  	s0 =	simm.s32 $0x1000  }
0x1be: {  	[tilespmem:s0], [sflag:$0x1] =	stream.indirect_vreg.gather [hbm4b:s7+s3], $0x80, v41, vm0, $0xb8;
	[tilespmem:$0x17D00] =	vst v63  }
0x1bf: {  	s0 =	simm.s32 $0x1080  }
0x1c0: {  	[tilespmem:s0], [sflag:$0x1] =	stream.indirect_vreg.gather [hbm4b:s7+s3], $0x80, v17, vm0, $0xb8;
	[tilespmem:$0x17D00] =	vst v63  }
0x1c1: {  	v17 =	vld [tilespmem:$0x20];
	_ =	sdelay $0x4  }
0x1c2: {  	v18 =	vshll.u32 v17, $0x1  }
0x1c3: {  	v17 =	vand.u32 $0x7, v17;
	v18 =	vand.u32 $0xFFFFFFF0, v18  }
0x1c4: {  	v17 =	vor.u32 v17, v18  }
0x1c5: {  	v18 =	vperm.xlane v17, v2;
	_ =	sdelay $0x1  }
0x1c6: {  	v19 =	vperm.xlane v17, v1;
	v18 =	vadd.s32 v3, v18;
	_ =	sdelay $0x1  }
0x1c7: {  	v42 =	vperm.xlane v17, v4;
	v19 =	vadd.s32 v3, v19;
	_ =	sdelay $0x1  }
0x1c8: {  	s0 =	simm.s32 $0x1100;
	v43 =	vperm.xlane v17, v5;
	v20 =	vadd.s32 v3, v42  }
0x1c9: {  	[tilespmem:s0], [sflag:$0x1] =	stream.indirect_vreg.gather [hbm4b:s7+s3], $0x80, v18, vm0, $0xb8;
	[tilespmem:$0x17D00] =	vst v63  }
0x1ca: {  	v44 =	vperm.xlane v17, v6;
	v18 =	vadd.s32 v3, v43;
	s0 =	simm.s32 $0x1180  }
0x1cb: {  	[tilespmem:s0], [sflag:$0x1] =	stream.indirect_vreg.gather [hbm4b:s7+s3], $0x80, v19, vm0, $0xb8;
	[tilespmem:$0x17D00] =	vst v63  }
0x1cc: {  	v45 =	vperm.xlane v17, v7;
	v19 =	vadd.s32 v3, v44;
	s0 =	simm.s32 $0x1200  }
0x1cd: {  	[tilespmem:s0], [sflag:$0x1] =	stream.indirect_vreg.gather [hbm4b:s7+s3], $0x80, v20, vm0, $0xb8;
	[tilespmem:$0x17D00] =	vst v63  }
0x1ce: {  	v47 =	vperm.xlane v17, v8;
	v46 =	vadd.s32 v3, v45;
	s0 =	simm.s32 $0x1280  }
0x1cf: {  	[tilespmem:s0], [sflag:$0x1] =	stream.indirect_vreg.gather [hbm4b:s7+s3], $0x80, v18, vm0, $0xb8;
	[tilespmem:$0x17D00] =	vst v63  }
0x1d0: {  	v48 =	vperm.xlane v17, v0;
	v18 =	vadd.s32 v3, v47;
	s0 =	simm.s32 $0x1300  }
0x1d1: {  	[tilespmem:s0], [sflag:$0x1] =	stream.indirect_vreg.gather [hbm4b:s7+s3], $0x80, v19, vm0, $0xb8;
	[tilespmem:$0x17D00] =	vst v63  }
0x1d2: {  	v49 =	vperm.xlane v17, v9;
	v19 =	vadd.s32 v3, v48;
	s0 =	simm.s32 $0x1380  }
0x1d3: {  	[tilespmem:s0], [sflag:$0x1] =	stream.indirect_vreg.gather [hbm4b:s7+s3], $0x80, v46, vm0, $0xb8;
	[tilespmem:$0x17D00] =	vst v63  }
0x1d4: {  	v51 =	vperm.xlane v17, v10;
	v50 =	vadd.s32 v3, v49;
	s0 =	simm.s32 $0x1400  }
0x1d5: {  	[tilespmem:s0], [sflag:$0x1] =	stream.indirect_vreg.gather [hbm4b:s7+s3], $0x80, v18, vm0, $0xb8;
	[tilespmem:$0x17D00] =	vst v63  }
0x1d6: {  	v52 =	vperm.xlane v17, v11;
	v18 =	vadd.s32 v3, v51;
	s0 =	simm.s32 $0x1480  }
0x1d7: {  	[tilespmem:s0], [sflag:$0x1] =	stream.indirect_vreg.gather [hbm4b:s7+s3], $0x80, v19, vm0, $0xb8;
	[tilespmem:$0x17D00] =	vst v63  }
0x1d8: {  	v53 =	vperm.xlane v17, v12;
	v19 =	vadd.s32 v3, v52;
	s0 =	simm.s32 $0x1500  }
0x1d9: {  	[tilespmem:s0], [sflag:$0x1] =	stream.indirect_vreg.gather [hbm4b:s7+s3], $0x80, v50, vm0, $0xb8;
	[tilespmem:$0x17D00] =	vst v63  }
0x1da: {  	v55 =	vperm.xlane v17, v13;
	v54 =	vadd.s32 v3, v53;
	s0 =	simm.s32 $0x1580  }
0x1db: {  	[tilespmem:s0], [sflag:$0x1] =	stream.indirect_vreg.gather [hbm4b:s7+s3], $0x80, v18, vm0, $0xb8;
	[tilespmem:$0x17D00] =	vst v63  }
0x1dc: {  	v56 =	vperm.xlane v17, v14;
	v18 =	vadd.s32 v3, v55;
	s0 =	simm.s32 $0x1600  }
0x1dd: {  	[tilespmem:s0], [sflag:$0x1] =	stream.indirect_vreg.gather [hbm4b:s7+s3], $0x80, v19, vm0, $0xb8;
	[tilespmem:$0x17D00] =	vst v63  }
0x1de: {  	v57 =	vperm.xlane v17, v15;
	v19 =	vadd.s32 v3, v56;
	s0 =	simm.s32 $0x1680  }
0x1df: {  	[tilespmem:s0], [sflag:$0x1] =	stream.indirect_vreg.gather [hbm4b:s7+s3], $0x80, v54, vm0, $0xb8;
	[tilespmem:$0x17D00] =	vst v63  }
0x1e0: {  	v17 =	vperm.xlane v17, v16;
	v58 =	vadd.s32 v3, v57;
	s0 =	simm.s32 $0x1700  }
0x1e1: {  	[tilespmem:s0], [sflag:$0x1] =	stream.indirect_vreg.gather [hbm4b:s7+s3], $0x80, v18, vm0, $0xb8;
	[tilespmem:$0x17D00] =	vst v63  }
0x1e2: {  	v17 =	vadd.s32 v3, v17;
	s0 =	simm.s32 $0x1780  }
0x1e3: {  	[tilespmem:s0], [sflag:$0x1] =	stream.indirect_vreg.gather [hbm4b:s7+s3], $0x80, v19, vm0, $0xb8;
	[tilespmem:$0x17D00] =	vst v63  }
0x1e4: {  	s0 =	simm.s32 $0x1800  }
0x1e5: {  	[tilespmem:s0], [sflag:$0x1] =	stream.indirect_vreg.gather [hbm4b:s7+s3], $0x80, v58, vm0, $0xb8;
	[tilespmem:$0x17D00] =	vst v63  }
0x1e6: {  	s0 =	simm.s32 $0x1880  }
0x1e7: {  	[tilespmem:s0], [sflag:$0x1] =	stream.indirect_vreg.gather [hbm4b:s7+s3], $0x80, v17, vm0, $0xb8;
	[tilespmem:$0x17D00] =	vst v63  }
0x1e8: {  	v17 =	vld [tilespmem:$0x30];
	_ =	sdelay $0x4  }
0x1e9: {  	v18 =	vshll.u32 v17, $0x1  }
0x1ea: {  	v17 =	vand.u32 $0x7, v17;
	v18 =	vand.u32 $0xFFFFFFF0, v18  }
0x1eb: {  	v17 =	vor.u32 v17, v18  }
0x1ec: {  	v18 =	vperm.xlane v17, v2;
	_ =	sdelay $0x1  }
0x1ed: {  	v19 =	vperm.xlane v17, v1;
	v18 =	vadd.s32 v3, v18;
	_ =	sdelay $0x1  }
0x1ee: {  	v59 =	vperm.xlane v17, v4;
	v19 =	vadd.s32 v3, v19;
	_ =	sdelay $0x1  }
0x1ef: {  	s0 =	simm.s32 $0x1900;
	v60 =	vperm.xlane v17, v5;
	v20 =	vadd.s32 v3, v59  }
0x1f0: {  	[tilespmem:s0], [sflag:$0x1] =	stream.indirect_vreg.gather [hbm4b:s7+s3], $0x80, v18, vm0, $0xb8;
	[tilespmem:$0x17D00] =	vst v63  }
0x1f1: {  	v61 =	vperm.xlane v17, v6;
	v18 =	vadd.s32 v3, v60;
	s0 =	simm.s32 $0x1980  }
0x1f2: {  	[tilespmem:s0], [sflag:$0x1] =	stream.indirect_vreg.gather [hbm4b:s7+s3], $0x80, v19, vm0, $0xb8;
	[tilespmem:$0x17D00] =	vst v63  }
0x1f3: {  	v62 =	vperm.xlane v17, v7;
	v19 =	vadd.s32 v3, v61;
	s0 =	simm.s32 $0x1A00  }
0x1f4: {  	[tilespmem:s0], [sflag:$0x1] =	stream.indirect_vreg.gather [hbm4b:s7+s3], $0x80, v20, vm0, $0xb8;
	[tilespmem:$0x17D00] =	vst v63  }
0x1f5: {  	v24 =	vperm.xlane v17, v8;
	v63 =	vadd.s32 v3, v62;
	s0 =	simm.s32 $0x1A80  }
0x1f6: {  	[tilespmem:s0], [sflag:$0x1] =	stream.indirect_vreg.gather [hbm4b:s7+s3], $0x80, v18, vm0, $0xb8;
	[tilespmem:$0x17D00] =	vst v63  }
0x1f7: {  	v25 =	vperm.xlane v17, v0;
	v18 =	vadd.s32 v3, v24;
	s0 =	simm.s32 $0x1B00  }
0x1f8: {  	[tilespmem:s0], [sflag:$0x1] =	stream.indirect_vreg.gather [hbm4b:s7+s3], $0x80, v19, vm0, $0xb8;
	[tilespmem:$0x17D00] =	vst v63  }
0x1f9: {  	v26 =	vperm.xlane v17, v9;
	v19 =	vadd.s32 v3, v25;
	s0 =	simm.s32 $0x1B80  }
0x1fa: {  	[tilespmem:s0], [sflag:$0x1] =	stream.indirect_vreg.gather [hbm4b:s7+s3], $0x80, v63, vm0, $0xb8;
	[tilespmem:$0x17D00] =	vst v63  }
0x1fb: {  	v28 =	vperm.xlane v17, v10;
	v27 =	vadd.s32 v3, v26;
	s0 =	simm.s32 $0x1C00  }
0x1fc: {  	[tilespmem:s0], [sflag:$0x1] =	stream.indirect_vreg.gather [hbm4b:s7+s3], $0x80, v18, vm0, $0xb8;
	[tilespmem:$0x17D00] =	vst v63  }
0x1fd: {  	v29 =	vperm.xlane v17, v11;
	v18 =	vadd.s32 v3, v28;
	s0 =	simm.s32 $0x1C80  }
0x1fe: {  	[tilespmem:s0], [sflag:$0x1] =	stream.indirect_vreg.gather [hbm4b:s7+s3], $0x80, v19, vm0, $0xb8;
	[tilespmem:$0x17D00] =	vst v63  }
0x1ff: {  	v30 =	vperm.xlane v17, v12;
	v19 =	vadd.s32 v3, v29;
	s0 =	simm.s32 $0x1D00  }
0x200: {  	[tilespmem:s0], [sflag:$0x1] =	stream.indirect_vreg.gather [hbm4b:s7+s3], $0x80, v27, vm0, $0xb8;
	[tilespmem:$0x17D00] =	vst v63  }
0x201: {  	v32 =	vperm.xlane v17, v13;
	v31 =	vadd.s32 v3, v30;
	s0 =	simm.s32 $0x1D80  }
0x202: {  	[tilespmem:s0], [sflag:$0x1] =	stream.indirect_vreg.gather [hbm4b:s7+s3], $0x80, v18, vm0, $0xb8;
	[tilespmem:$0x17D00] =	vst v63  }
0x203: {  	v33 =	vperm.xlane v17, v14;
	v18 =	vadd.s32 v3, v32;
	s0 =	simm.s32 $0x1E00  }
0x204: {  	[tilespmem:s0], [sflag:$0x1] =	stream.indirect_vreg.gather [hbm4b:s7+s3], $0x80, v19, vm0, $0xb8;
	[tilespmem:$0x17D00] =	vst v63  }
0x205: {  	v34 =	vperm.xlane v17, v15;
	v19 =	vadd.s32 v3, v33;
	s0 =	simm.s32 $0x1E80  }
0x206: {  	[tilespmem:s0], [sflag:$0x1] =	stream.indirect_vreg.gather [hbm4b:s7+s3], $0x80, v31, vm0, $0xb8;
	[tilespmem:$0x17D00] =	vst v63  }
0x207: {  	v17 =	vperm.xlane v17, v16;
	v35 =	vadd.s32 v3, v34;
	s0 =	simm.s32 $0x1F00  }
0x208: {  	[tilespmem:s0], [sflag:$0x1] =	stream.indirect_vreg.gather [hbm4b:s7+s3], $0x80, v18, vm0, $0xb8;
	[tilespmem:$0x17D00] =	vst v63  }
0x209: {  	v17 =	vadd.s32 v3, v17;
	s0 =	simm.s32 $0x1F80  }
0x20a: {  	[tilespmem:s0], [sflag:$0x1] =	stream.indirect_vreg.gather [hbm4b:s7+s3], $0x80, v19, vm0, $0xb8;
	[tilespmem:$0x17D00] =	vst v63  }
0x20b: {  	s0 =	simm.s32 $0x2000  }
0x20c: {  	[tilespmem:s0], [sflag:$0x1] =	stream.indirect_vreg.gather [hbm4b:s7+s3], $0x80, v35, vm0, $0xb8;
	[tilespmem:$0x17D00] =	vst v63  }
0x20d: {  	s0 =	simm.s32 $0x2080  }
0x20e: {  	[tilespmem:s0], [sflag:$0x1] =	stream.indirect_vreg.gather [hbm4b:s7+s3], $0x80, v17, vm0, $0xb8;
	[tilespmem:$0x17D00] =	vst v63  }
0x20f: {  	v17 =	vld [tilespmem:$0x40];
	_ =	sdelay $0x4  }
0x210: {  	v18 =	vshll.u32 v17, $0x1  }
0x211: {  	v17 =	vand.u32 $0x7, v17;
	v18 =	vand.u32 $0xFFFFFFF0, v18  }
0x212: {  	v17 =	vor.u32 v17, v18  }
0x213: {  	v18 =	vperm.xlane v17, v2;
	_ =	sdelay $0x1  }
0x214: {  	v19 =	vperm.xlane v17, v1;
	v18 =	vadd.s32 v3, v18;
	_ =	sdelay $0x1  }
0x215: {  	v36 =	vperm.xlane v17, v4;
	v19 =	vadd.s32 v3, v19;
	_ =	sdelay $0x1  }
0x216: {  	s0 =	simm.s32 $0x2100;
	v37 =	vperm.xlane v17, v5;
	v20 =	vadd.s32 v3, v36  }
0x217: {  	[tilespmem:s0], [sflag:$0x1] =	stream.indirect_vreg.gather [hbm4b:s7+s3], $0x80, v18, vm0, $0xb8;
	[tilespmem:$0x17D00] =	vst v63  }
0x218: {  	v38 =	vperm.xlane v17, v6;
	v18 =	vadd.s32 v3, v37;
	s0 =	simm.s32 $0x2180  }
0x219: {  	[tilespmem:s0], [sflag:$0x1] =	stream.indirect_vreg.gather [hbm4b:s7+s3], $0x80, v19, vm0, $0xb8;
	[tilespmem:$0x17D00] =	vst v63  }
0x21a: {  	v39 =	vperm.xlane v17, v7;
	v19 =	vadd.s32 v3, v38;
	s0 =	simm.s32 $0x2200  }
0x21b: {  	[tilespmem:s0], [sflag:$0x1] =	stream.indirect_vreg.gather [hbm4b:s7+s3], $0x80, v20, vm0, $0xb8;
	[tilespmem:$0x17D00] =	vst v63  }
0x21c: {  	v41 =	vperm.xlane v17, v8;
	v40 =	vadd.s32 v3, v39;
	s0 =	simm.s32 $0x2280  }
0x21d: {  	[tilespmem:s0], [sflag:$0x1] =	stream.indirect_vreg.gather [hbm4b:s7+s3], $0x80, v18, vm0, $0xb8;
	[tilespmem:$0x17D00] =	vst v63  }
0x21e: {  	v42 =	vperm.xlane v17, v0;
	v18 =	vadd.s32 v3, v41;
	s0 =	simm.s32 $0x2300  }
0x21f: {  	[tilespmem:s0], [sflag:$0x1] =	stream.indirect_vreg.gather [hbm4b:s7+s3], $0x80, v19, vm0, $0xb8;
	[tilespmem:$0x17D00] =	vst v63  }
0x220: {  	v43 =	vperm.xlane v17, v9;
	v19 =	vadd.s32 v3, v42;
	s0 =	simm.s32 $0x2380  }
0x221: {  	[tilespmem:s0], [sflag:$0x1] =	stream.indirect_vreg.gather [hbm4b:s7+s3], $0x80, v40, vm0, $0xb8;
	[tilespmem:$0x17D00] =	vst v63  }
0x222: {  	v45 =	vperm.xlane v17, v10;
	v44 =	vadd.s32 v3, v43;
	s0 =	simm.s32 $0x2400  }
0x223: {  	[tilespmem:s0], [sflag:$0x1] =	stream.indirect_vreg.gather [hbm4b:s7+s3], $0x80, v18, vm0, $0xb8;
	[tilespmem:$0x17D00] =	vst v63  }
0x224: {  	v46 =	vperm.xlane v17, v11;
	v18 =	vadd.s32 v3, v45;
	s0 =	simm.s32 $0x2480  }
0x225: {  	[tilespmem:s0], [sflag:$0x1] =	stream.indirect_vreg.gather [hbm4b:s7+s3], $0x80, v19, vm0, $0xb8;
	[tilespmem:$0x17D00] =	vst v63  }
0x226: {  	v47 =	vperm.xlane v17, v12;
	v19 =	vadd.s32 v3, v46;
	s0 =	simm.s32 $0x2500  }
0x227: {  	[tilespmem:s0], [sflag:$0x1] =	stream.indirect_vreg.gather [hbm4b:s7+s3], $0x80, v44, vm0, $0xb8;
	[tilespmem:$0x17D00] =	vst v63  }
0x228: {  	v49 =	vperm.xlane v17, v13;
	v48 =	vadd.s32 v3, v47;
	s0 =	simm.s32 $0x2580  }
0x229: {  	[tilespmem:s0], [sflag:$0x1] =	stream.indirect_vreg.gather [hbm4b:s7+s3], $0x80, v18, vm0, $0xb8;
	[tilespmem:$0x17D00] =	vst v63  }
0x22a: {  	v50 =	vperm.xlane v17, v14;
	v18 =	vadd.s32 v3, v49;
	s0 =	simm.s32 $0x2600  }
0x22b: {  	[tilespmem:s0], [sflag:$0x1] =	stream.indirect_vreg.gather [hbm4b:s7+s3], $0x80, v19, vm0, $0xb8;
	[tilespmem:$0x17D00] =	vst v63  }
0x22c: {  	v51 =	vperm.xlane v17, v15;
	v19 =	vadd.s32 v3, v50;
	s0 =	simm.s32 $0x2680  }
0x22d: {  	[tilespmem:s0], [sflag:$0x1] =	stream.indirect_vreg.gather [hbm4b:s7+s3], $0x80, v48, vm0, $0xb8;
	[tilespmem:$0x17D00] =	vst v63  }
0x22e: {  	v17 =	vperm.xlane v17, v16;
	v52 =	vadd.s32 v3, v51;
	s0 =	simm.s32 $0x2700  }
0x22f: {  	[tilespmem:s0], [sflag:$0x1] =	stream.indirect_vreg.gather [hbm4b:s7+s3], $0x80, v18, vm0, $0xb8;
	[tilespmem:$0x17D00] =	vst v63  }
0x230: {  	v17 =	vadd.s32 v3, v17;
	s0 =	simm.s32 $0x2780  }
0x231: {  	[tilespmem:s0], [sflag:$0x1] =	stream.indirect_vreg.gather [hbm4b:s7+s3], $0x80, v19, vm0, $0xb8;
	[tilespmem:$0x17D00] =	vst v63  }
0x232: {  	s0 =	simm.s32 $0x2800  }
0x233: {  	[tilespmem:s0], [sflag:$0x1] =	stream.indirect_vreg.gather [hbm4b:s7+s3], $0x80, v52, vm0, $0xb8;
	[tilespmem:$0x17D00] =	vst v63  }
0x234: {  	s0 =	simm.s32 $0x2880  }
0x235: {  	[tilespmem:s0], [sflag:$0x1] =	stream.indirect_vreg.gather [hbm4b:s7+s3], $0x80, v17, vm0, $0xb8;
	[tilespmem:$0x17D00] =	vst v63  }
0x236: {  	v17 =	vld [tilespmem:$0x50];
	_ =	sdelay $0x4  }
0x237: {  	v18 =	vshll.u32 v17, $0x1  }
0x238: {  	v17 =	vand.u32 $0x7, v17;
	v18 =	vand.u32 $0xFFFFFFF0, v18  }
0x239: {  	v17 =	vor.u32 v17, v18  }
0x23a: {  	v18 =	vperm.xlane v17, v2;
	_ =	sdelay $0x1  }
0x23b: {  	v19 =	vperm.xlane v17, v1;
	v18 =	vadd.s32 v3, v18;
	_ =	sdelay $0x1  }
0x23c: {  	v53 =	vperm.xlane v17, v4;
	v19 =	vadd.s32 v3, v19;
	_ =	sdelay $0x1  }
0x23d: {  	s0 =	simm.s32 $0x2900;
	v54 =	vperm.xlane v17, v5;
	v20 =	vadd.s32 v3, v53  }
0x23e: {  	[tilespmem:s0], [sflag:$0x1] =	stream.indirect_vreg.gather [hbm4b:s7+s3], $0x80, v18, vm0, $0xb8;
	[tilespmem:$0x17D00] =	vst v63  }
0x23f: {  	v55 =	vperm.xlane v17, v6;
	v18 =	vadd.s32 v3, v54;
	s0 =	simm.s32 $0x2980  }
0x240: {  	[tilespmem:s0], [sflag:$0x1] =	stream.indirect_vreg.gather [hbm4b:s7+s3], $0x80, v19, vm0, $0xb8;
	[tilespmem:$0x17D00] =	vst v63  }
0x241: {  	v56 =	vperm.xlane v17, v7;
	v19 =	vadd.s32 v3, v55;
	s0 =	simm.s32 $0x2A00  }
0x242: {  	[tilespmem:s0], [sflag:$0x1] =	stream.indirect_vreg.gather [hbm4b:s7+s3], $0x80, v20, vm0, $0xb8;
	[tilespmem:$0x17D00] =	vst v63  }
0x243: {  	v58 =	vperm.xlane v17, v8;
	v57 =	vadd.s32 v3, v56;
	s0 =	simm.s32 $0x2A80  }
0x244: {  	[tilespmem:s0], [sflag:$0x1] =	stream.indirect_vreg.gather [hbm4b:s7+s3], $0x80, v18, vm0, $0xb8;
	[tilespmem:$0x17D00] =	vst v63  }
0x245: {  	v59 =	vperm.xlane v17, v0;
	v18 =	vadd.s32 v3, v58;
	s0 =	simm.s32 $0x2B00  }
0x246: {  	[tilespmem:s0], [sflag:$0x1] =	stream.indirect_vreg.gather [hbm4b:s7+s3], $0x80, v19, vm0, $0xb8;
	[tilespmem:$0x17D00] =	vst v63  }
0x247: {  	v60 =	vperm.xlane v17, v9;
	v19 =	vadd.s32 v3, v59;
	s0 =	simm.s32 $0x2B80  }
0x248: {  	[tilespmem:s0], [sflag:$0x1] =	stream.indirect_vreg.gather [hbm4b:s7+s3], $0x80, v57, vm0, $0xb8;
	[tilespmem:$0x17D00] =	vst v63  }
0x249: {  	v62 =	vperm.xlane v17, v10;
	v61 =	vadd.s32 v3, v60;
	s0 =	simm.s32 $0x2C00  }
0x24a: {  	[tilespmem:s0], [sflag:$0x1] =	stream.indirect_vreg.gather [hbm4b:s7+s3], $0x80, v18, vm0, $0xb8;
	[tilespmem:$0x17D00] =	vst v63  }
0x24b: {  	v63 =	vperm.xlane v17, v11;
	v18 =	vadd.s32 v3, v62;
	s0 =	simm.s32 $0x2C80  }
0x24c: {  	[tilespmem:s0], [sflag:$0x1] =	stream.indirect_vreg.gather [hbm4b:s7+s3], $0x80, v19, vm0, $0xb8;
	[tilespmem:$0x17D00] =	vst v63  }
0x24d: {  	v24 =	vperm.xlane v17, v12;
	v19 =	vadd.s32 v3, v63;
	s0 =	simm.s32 $0x2D00  }
0x24e: {  	[tilespmem:s0], [sflag:$0x1] =	stream.indirect_vreg.gather [hbm4b:s7+s3], $0x80, v61, vm0, $0xb8;
	[tilespmem:$0x17D00] =	vst v63  }
0x24f: {  	v26 =	vperm.xlane v17, v13;
	v25 =	vadd.s32 v3, v24;
	s0 =	simm.s32 $0x2D80  }
0x250: {  	[tilespmem:s0], [sflag:$0x1] =	stream.indirect_vreg.gather [hbm4b:s7+s3], $0x80, v18, vm0, $0xb8;
	[tilespmem:$0x17D00] =	vst v63  }
0x251: {  	v27 =	vperm.xlane v17, v14;
	v18 =	vadd.s32 v3, v26;
	s0 =	simm.s32 $0x2E00  }
0x252: {  	[tilespmem:s0], [sflag:$0x1] =	stream.indirect_vreg.gather [hbm4b:s7+s3], $0x80, v19, vm0, $0xb8;
	[tilespmem:$0x17D00] =	vst v63  }
0x253: {  	v28 =	vperm.xlane v17, v15;
	v19 =	vadd.s32 v3, v27;
	s0 =	simm.s32 $0x2E80  }
0x254: {  	[tilespmem:s0], [sflag:$0x1] =	stream.indirect_vreg.gather [hbm4b:s7+s3], $0x80, v25, vm0, $0xb8;
	[tilespmem:$0x17D00] =	vst v63  }
0x255: {  	v17 =	vperm.xlane v17, v16;
	v29 =	vadd.s32 v3, v28;
	s0 =	simm.s32 $0x2F00  }
0x256: {  	[tilespmem:s0], [sflag:$0x1] =	stream.indirect_vreg.gather [hbm4b:s7+s3], $0x80, v18, vm0, $0xb8;
	[tilespmem:$0x17D00] =	vst v63  }
0x257: {  	v17 =	vadd.s32 v3, v17;
	s0 =	simm.s32 $0x2F80  }
0x258: {  	[tilespmem:s0], [sflag:$0x1] =	stream.indirect_vreg.gather [hbm4b:s7+s3], $0x80, v19, vm0, $0xb8;
	[tilespmem:$0x17D00] =	vst v63  }
0x259: {  	s0 =	simm.s32 $0x3000  }
0x25a: {  	[tilespmem:s0], [sflag:$0x1] =	stream.indirect_vreg.gather [hbm4b:s7+s3], $0x80, v29, vm0, $0xb8;
	[tilespmem:$0x17D00] =	vst v63  }
0x25b: {  	s0 =	simm.s32 $0x3080  }
0x25c: {  	[tilespmem:s0], [sflag:$0x1] =	stream.indirect_vreg.gather [hbm4b:s7+s3], $0x80, v17, vm0, $0xb8;
	[tilespmem:$0x17D00] =	vst v63  }
0x25d: {  	v17 =	vld [tilespmem:$0x60];
	_ =	sdelay $0x4  }
0x25e: {  	v18 =	vshll.u32 v17, $0x1  }
0x25f: {  	v17 =	vand.u32 $0x7, v17;
	v18 =	vand.u32 $0xFFFFFFF0, v18  }
0x260: {  	v17 =	vor.u32 v17, v18  }
0x261: {  	v18 =	vperm.xlane v17, v2;
	_ =	sdelay $0x1  }
0x262: {  	v19 =	vperm.xlane v17, v1;
	v18 =	vadd.s32 v3, v18;
	_ =	sdelay $0x1  }
0x263: {  	v30 =	vperm.xlane v17, v4;
	v19 =	vadd.s32 v3, v19;
	_ =	sdelay $0x1  }
0x264: {  	s0 =	simm.s32 $0x3100;
	v31 =	vperm.xlane v17, v5;
	v20 =	vadd.s32 v3, v30  }
0x265: {  	[tilespmem:s0], [sflag:$0x1] =	stream.indirect_vreg.gather [hbm4b:s7+s3], $0x80, v18, vm0, $0xb8;
	[tilespmem:$0x17D00] =	vst v63  }
0x266: {  	v32 =	vperm.xlane v17, v6;
	v18 =	vadd.s32 v3, v31;
	s0 =	simm.s32 $0x3180  }
0x267: {  	[tilespmem:s0], [sflag:$0x1] =	stream.indirect_vreg.gather [hbm4b:s7+s3], $0x80, v19, vm0, $0xb8;
	[tilespmem:$0x17D00] =	vst v63  }
0x268: {  	v33 =	vperm.xlane v17, v7;
	v19 =	vadd.s32 v3, v32;
	s0 =	simm.s32 $0x3200  }
0x269: {  	[tilespmem:s0], [sflag:$0x1] =	stream.indirect_vreg.gather [hbm4b:s7+s3], $0x80, v20, vm0, $0xb8;
	[tilespmem:$0x17D00] =	vst v63  }
0x26a: {  	v35 =	vperm.xlane v17, v8;
	v34 =	vadd.s32 v3, v33;
	s0 =	simm.s32 $0x3280  }
0x26b: {  	[tilespmem:s0], [sflag:$0x1] =	stream.indirect_vreg.gather [hbm4b:s7+s3], $0x80, v18, vm0, $0xb8;
	[tilespmem:$0x17D00] =	vst v63  }
0x26c: {  	v36 =	vperm.xlane v17, v0;
	v18 =	vadd.s32 v3, v35;
	s0 =	simm.s32 $0x3300  }
0x26d: {  	[tilespmem:s0], [sflag:$0x1] =	stream.indirect_vreg.gather [hbm4b:s7+s3], $0x80, v19, vm0, $0xb8;
	[tilespmem:$0x17D00] =	vst v63  }
0x26e: {  	v37 =	vperm.xlane v17, v9;
	v19 =	vadd.s32 v3, v36;
	s0 =	simm.s32 $0x3380  }
0x26f: {  	[tilespmem:s0], [sflag:$0x1] =	stream.indirect_vreg.gather [hbm4b:s7+s3], $0x80, v34, vm0, $0xb8;
	[tilespmem:$0x17D00] =	vst v63  }
0x270: {  	v39 =	vperm.xlane v17, v10;
	v38 =	vadd.s32 v3, v37;
	s0 =	simm.s32 $0x3400  }
0x271: {  	[tilespmem:s0], [sflag:$0x1] =	stream.indirect_vreg.gather [hbm4b:s7+s3], $0x80, v18, vm0, $0xb8;
	[tilespmem:$0x17D00] =	vst v63  }
0x272: {  	v40 =	vperm.xlane v17, v11;
	v18 =	vadd.s32 v3, v39;
	s0 =	simm.s32 $0x3480  }
0x273: {  	[tilespmem:s0], [sflag:$0x1] =	stream.indirect_vreg.gather [hbm4b:s7+s3], $0x80, v19, vm0, $0xb8;
	[tilespmem:$0x17D00] =	vst v63  }
0x274: {  	v41 =	vperm.xlane v17, v12;
	v19 =	vadd.s32 v3, v40;
	s0 =	simm.s32 $0x3500  }
0x275: {  	[tilespmem:s0], [sflag:$0x1] =	stream.indirect_vreg.gather [hbm4b:s7+s3], $0x80, v38, vm0, $0xb8;
	[tilespmem:$0x17D00] =	vst v63  }
0x276: {  	v43 =	vperm.xlane v17, v13;
	v42 =	vadd.s32 v3, v41;
	s0 =	simm.s32 $0x3580  }
0x277: {  	[tilespmem:s0], [sflag:$0x1] =	stream.indirect_vreg.gather [hbm4b:s7+s3], $0x80, v18, vm0, $0xb8;
	[tilespmem:$0x17D00] =	vst v63  }
0x278: {  	v44 =	vperm.xlane v17, v14;
	v18 =	vadd.s32 v3, v43;
	s0 =	simm.s32 $0x3600  }
0x279: {  	[tilespmem:s0], [sflag:$0x1] =	stream.indirect_vreg.gather [hbm4b:s7+s3], $0x80, v19, vm0, $0xb8;
	[tilespmem:$0x17D00] =	vst v63  }
0x27a: {  	v45 =	vperm.xlane v17, v15;
	v19 =	vadd.s32 v3, v44  }
0x27b: {  	[tilespmem:s2], [sflag:$0x1] =	stream.indirect_vreg.gather [hbm4b:s7+s3], $0x80, v42, vm0, $0xb8;
	[tilespmem:$0x17D00] =	vst v63  }
0x27c: {  	v17 =	vperm.xlane v17, v16;
	v46 =	vadd.s32 v3, v45  }
0x27d: {  	[tilespmem:s4], [sflag:$0x1] =	stream.indirect_vreg.gather [hbm4b:s7+s3], $0x80, v18, vm0, $0xb8;
	[tilespmem:$0x17D00] =	vst v63  }
0x27e: {  	v17 =	vadd.s32 v3, v17  }
0x27f: {  	[tilespmem:s5], [sflag:$0x1] =	stream.indirect_vreg.gather [hbm4b:s7+s3], $0x80, v19, vm0, $0xb8;
	[tilespmem:$0x17D00] =	vst v63  }
0x280: {  	_ = 	snop  }
0x281: {  	[tilespmem:s6], [sflag:$0x1] =	stream.indirect_vreg.gather [hbm4b:s7+s3], $0x80, v46, vm0, $0xb8;
	[tilespmem:$0x17D00] =	vst v63  }
0x282: {  	_ = 	snop  }
0x283: {  	[tilespmem:s8], [sflag:$0x1] =	stream.indirect_vreg.gather [hbm4b:s7+s3], $0x80, v17, vm0, $0xb8;
	[tilespmem:$0x17D00] =	vst v63  }
0x284: {  	v17 =	vld [tilespmem:$0x70];
	_ =	sdelay $0x4  }
0x285: {  	v18 =	vshll.u32 v17, $0x1  }
0x286: {  	v17 =	vand.u32 $0x7, v17;
	v18 =	vand.u32 $0xFFFFFFF0, v18  }
0x287: {  	v17 =	vor.u32 v17, v18  }
0x288: {  	v18 =	vperm.xlane v17, v2;
	_ =	sdelay $0x1  }
0x289: {  	v19 =	vperm.xlane v17, v1;
	v18 =	vadd.s32 v3, v18;
	_ =	sdelay $0x1  }
0x28a: {  	v47 =	vperm.xlane v17, v4;
	v19 =	vadd.s32 v3, v19;
	_ =	sdelay $0x1  }
0x28b: {  	v48 =	vperm.xlane v17, v5;
	v20 =	vadd.s32 v3, v47  }
0x28c: {  	[tilespmem:s15], [sflag:$0x1] =	stream.indirect_vreg.gather [hbm4b:s7+s3], $0x80, v18, vm0, $0xb8;
	[tilespmem:$0x17D00] =	vst v63  }
0x28d: {  	v49 =	vperm.xlane v17, v6;
	v18 =	vadd.s32 v3, v48  }
0x28e: {  	[tilespmem:s16], [sflag:$0x1] =	stream.indirect_vreg.gather [hbm4b:s7+s3], $0x80, v19, vm0, $0xb8;
	[tilespmem:$0x17D00] =	vst v63  }
0x28f: {  	v50 =	vperm.xlane v17, v7;
	v19 =	vadd.s32 v3, v49  }
0x290: {  	[tilespmem:s17], [sflag:$0x1] =	stream.indirect_vreg.gather [hbm4b:s7+s3], $0x80, v20, vm0, $0xb8;
	[tilespmem:$0x17D00] =	vst v63  }
0x291: {  	v52 =	vperm.xlane v17, v8;
	v51 =	vadd.s32 v3, v50  }
0x292: {  	[tilespmem:s18], [sflag:$0x1] =	stream.indirect_vreg.gather [hbm4b:s7+s3], $0x80, v18, vm0, $0xb8;
	[tilespmem:$0x17D00] =	vst v63  }
0x293: {  	v53 =	vperm.xlane v17, v0;
	v18 =	vadd.s32 v3, v52  }
0x294: {  	[tilespmem:s19], [sflag:$0x1] =	stream.indirect_vreg.gather [hbm4b:s7+s3], $0x80, v19, vm0, $0xb8;
	[tilespmem:$0x17D00] =	vst v63  }
0x295: {  	v54 =	vperm.xlane v17, v9;
	v19 =	vadd.s32 v3, v53  }
0x296: {  	[tilespmem:s20], [sflag:$0x1] =	stream.indirect_vreg.gather [hbm4b:s7+s3], $0x80, v51, vm0, $0xb8;
	[tilespmem:$0x17D00] =	vst v63  }
0x297: {  	v56 =	vperm.xlane v17, v10;
	v55 =	vadd.s32 v3, v54  }
0x298: {  	[tilespmem:s21], [sflag:$0x1] =	stream.indirect_vreg.gather [hbm4b:s7+s3], $0x80, v18, vm0, $0xb8;
	[tilespmem:$0x17D00] =	vst v63  }
0x299: {  	v57 =	vperm.xlane v17, v11;
	v18 =	vadd.s32 v3, v56  }
0x29a: {  	[tilespmem:s22], [sflag:$0x1] =	stream.indirect_vreg.gather [hbm4b:s7+s3], $0x80, v19, vm0, $0xb8;
	[tilespmem:$0x17D00] =	vst v63  }
0x29b: {  	v58 =	vperm.xlane v17, v12;
	v19 =	vadd.s32 v3, v57  }
0x29c: {  	[tilespmem:s23], [sflag:$0x1] =	stream.indirect_vreg.gather [hbm4b:s7+s3], $0x80, v55, vm0, $0xb8;
	[tilespmem:$0x17D00] =	vst v63  }
0x29d: {  	v60 =	vperm.xlane v17, v13;
	v59 =	vadd.s32 v3, v58  }
0x29e: {  	[tilespmem:s24], [sflag:$0x1] =	stream.indirect_vreg.gather [hbm4b:s7+s3], $0x80, v18, vm0, $0xb8;
	[tilespmem:$0x17D00] =	vst v63  }
0x29f: {  	v61 =	vperm.xlane v17, v14;
	v18 =	vadd.s32 v3, v60  }
0x2a0: {  	[tilespmem:s25], [sflag:$0x1] =	stream.indirect_vreg.gather [hbm4b:s7+s3], $0x80, v19, vm0, $0xb8;
	[tilespmem:$0x17D00] =	vst v63  }
0x2a1: {  	v62 =	vperm.xlane v17, v15;
	v19 =	vadd.s32 v3, v61  }
0x2a2: {  	[tilespmem:s26], [sflag:$0x1] =	stream.indirect_vreg.gather [hbm4b:s7+s3], $0x80, v59, vm0, $0xb8;
	[tilespmem:$0x17D00] =	vst v63  }
0x2a3: {  	v17 =	vperm.xlane v17, v16;
	v63 =	vadd.s32 v3, v62  }
0x2a4: {  	[tilespmem:s28], [sflag:$0x1] =	stream.indirect_vreg.gather [hbm4b:s7+s3], $0x80, v18, vm0, $0xb8;
	[tilespmem:$0x17D00] =	vst v63  }
0x2a5: {  	v17 =	vadd.s32 v3, v17  }
0x2a6: {  	[tilespmem:s29], [sflag:$0x1] =	stream.indirect_vreg.gather [hbm4b:s7+s3], $0x80, v19, vm0, $0xb8;
	[tilespmem:$0x17D00] =	vst v63  }
0x2a7: {  	_ = 	snop  }
0x2a8: {  	[tilespmem:s30], [sflag:$0x1] =	stream.indirect_vreg.gather [hbm4b:s7+s3], $0x80, v63, vm0, $0xb8;
	[tilespmem:$0x17D00] =	vst v63  }
0x2a9: {  	_ = 	snop  }
0x2aa: {  	[tilespmem:s12], [sflag:$0x1] =	stream.indirect_vreg.gather [hbm4b:s7+s3], $0x80, v17, vm0, $0xb8;
	[tilespmem:$0x17D00] =	vst v63  }
0x2ab: {  	_ =	swait.ge [sflag:s9], $0x4000  }
0x2ac: {  	p0 =	sne.s32 s10, $0x4E0;
	[sflag:s9] =	ssyncset.done $0x0  }
.Ltmp0:
0x2ad: {  	[sflag:s9] =	ssyncadd.s32 $0xFFFFC000;
	(pc) =	sbr.rel @p0 .LBB2_2-.Ltmp0, $4  }
0x2ae: {  	[spmem:s1] =	stream.indirect.scatter.add.f32 [tilespmem:s31], [sflag:$0x2], $0x80, s13, s13, $0xb8;
	[tilespmem:$0x17D00] =	vst v63  }
0x2af: {  	_ =	swait.ge [sflag:s11], $0x4000  }
0x2b0: {  	[sflag:s11] =	ssyncset.done $0x0  }
0x2b1: {  	s10 =	sadd.s32 $0x10, s10;
	[sflag:s11] =	ssyncadd.s32 $0xFFFFC000  }
0x2b2: {  	[bflag:$0x0] =	sbarrier.arrive $0xFFFF  }
0x2b3: {  	s10 =	rddreg [dreg:$0xb]  }
0x2b4: {  	s0 =	rddreg [dreg:$0xe]  }
0x2b5: {  	s2 =	rddreg [dreg:$0xf]  }
0x2b6: {  	[hbm:s10], [sflag:s0] =	dma.local [spmem:s2], $0x2780  }
0x2b7: {  	_ =	swait.ge [sflag:s11], $0x2780  }
0x2b8: {  	s4 =	rddreg [dreg:$0xd]  }
0x2b9: {  	s2 =	rddreg [dreg:$0xc];
	s4 =	sadd.s32 $0x1, s4  }
0x2ba: {  	p0 =	sne.s32 s4, s2  }
.Ltmp1:
0x2bb: {  	_ = 	snop;
	(pc) =	sbr.rel @p0 .LBB2_1-.Ltmp1, $3  }
0x2bc: {  	_ =	sdelay $0x1  }
0x2bd: {  	[sflag:s11] =	ssyncset.done $0x0  }
0x2be: {  	s0 =	simm.s32 $0x80;
	[sflag:s11] =	ssyncadd.s32 $0xFFFFD880;
	s2 =	simm.s32 $0x100  }
0x2bf: {  	_ =	sfence.sel $0x180000  }
0x2c0: {  	[bflag:$0x0] =	sbarrier.arrive $0xFFFF  }
0x2c1: {  	_ =	strace $0x90000047  }
0x2c2: {  	s0 =	stileid.u32;
	[bflag:$0x2] =	sbarrier.arrive $0xFFFF  }
0x2c3: {  	p0 =	sne.s32 s0, $0x0;
	s0 =	rddreg [dreg:$0x4]  }
0x2c4: {  	s0 =	sadd.s32 @!p0 $0x100000, s0  }
0x2c5: {  	[sflag:s0] =	ssyncadd.tile.s32 @!p0 $0x1;
	_ =	shalt  }
.Lfunc_end2:
_tile_overlayer_lowered:
.L_overlay_start_2:
0x2c6: {  	(tag) =	ssettag $0x2  }
0x2c7: {  	s0 =	rddreg [dreg:$0x0];
	s2 =	stileid.u32  }
0x2c8: {  	s1 =	rddreg [dreg:$0x1];
	p0 =	sne.s32 s2, $0x0  }
0x2c9: {  	s3 =	rddreg [dreg:$0x2];
	[bflag:$0x3] =	sbarrier.arrive $0xFFFF;
	s2 =	simm.s32 @!p0 $0x1C02  }
0x2ca: {  	[timem:s3], [sflag:s2] =	dma.local @!p0 [hbm:s0], s1  }
0x2cb: {  	s0 =	simm.s32 @!p0 $0x2  }
0x2cc: {  	_ =	swait.ge @!p0 [sflag:s0], s1  }
0x2cd: {  	s1 =	ssub.s32 @!p0 $0x0, s1;
	[sflag:s0] =	ssyncset.done @!p0 $0x0  }
0x2ce: {  	[sflag:s0] =	ssyncadd.s32 @!p0 s1  }
0x2cf: {  	[bflag:$0x3] =	sbarrier.arrive $0xFFFF  }
0x2d0: {  	_ =	shalt  }

</sc_bundles>
